<compile_context>
chip_gen: v7x
topology: tpu7x:2x2x1
jax: 0.10.2.dev20260603
libtpu: 0.0.44.dev20260713+nightly
codegen_flags: <defaults>
</compile_context>

<pallas_src>
import functools

import jax
import jax.numpy as jnp
from jax import lax
from jax.experimental import pallas as pl
from jax.experimental.pallas import tpu as pltpu
from jax.experimental.pallas import tpu_sc as plsc

N = 10000
E = 320000
DIN = 128
DH = 32
DOUT = 32
G = 128

NC = 2
NS = 16
NW = NC * NS
C = 128
K = -(-E // (NW * C))
K += K % 2
EP = NW * K * C
NPAD = 10240
NT = NPAD // NS
CW = 32
NR = NPAD * DH // 128
NG = N * DH // 128

_sc_mesh = plsc.VectorSubcoreMesh(
    core_axis_name="c", subcore_axis_name="s", num_cores=NC, num_subcores=NS
)


@functools.partial(
    pl.kernel,
    out_type=jax.ShapeDtypeStruct((NC, NPAD, CW), jnp.float32),
    mesh=_sc_mesh,
    scratch_types=[
        pltpu.VMEM_SHARED((NPAD, CW), jnp.float32),
        pltpu.VMEM((NT, CW), jnp.float32),
        pltpu.VMEM((K, C), jnp.int32),
        pltpu.VMEM((C, CW), jnp.float32),
        pltpu.SemaphoreType.DMA,
    ],
    compiler_params=pltpu.CompilerParams(use_tc_tiling_on_sc=False),
)
def _sc_count(dst_hbm, ones_hbm, zero_hbm, out_hbm, accum_sh, stage_v, idx_v,
              ones_v, sem):
    cid = lax.axis_index("c")
    sid = lax.axis_index("s")
    wid = sid * NC + cid
    rows = pl.ds(sid * NT, NT)
    pltpu.sync_copy(zero_hbm.at[rows], stage_v)
    pltpu.sync_copy(stage_v, accum_sh.at[rows])
    pltpu.sync_copy(ones_hbm, ones_v)
    pltpu.sync_copy(dst_hbm.at[wid], idx_v)
    plsc.subcore_barrier()

    def chunk(k, carry):
        pltpu.async_copy(ones_v, accum_sh.at[idx_v.at[k]], sem, add=True)
        return carry

    lax.fori_loop(0, K, chunk, 0)

    def drain(k, carry):
        pltpu.make_async_copy(ones_v, accum_sh.at[idx_v.at[k]], sem).wait()
        return carry

    lax.fori_loop(0, K, drain, 0)
    plsc.subcore_barrier()
    pltpu.sync_copy(accum_sh.at[rows], stage_v)
    pltpu.sync_copy(stage_v, out_hbm.at[cid, rows])


@functools.partial(
    pl.kernel,
    out_type=jax.ShapeDtypeStruct((NC, NPAD, DH), jnp.float32),
    mesh=_sc_mesh,
    scratch_types=[
        pltpu.VMEM_SHARED((NPAD, DH), jnp.float32),
        pltpu.VMEM_SHARED((NPAD, DH), jnp.float32),
        pltpu.VMEM((NT, DH), jnp.float32),
        pltpu.VMEM((K, C), jnp.int32),
        pltpu.VMEM((K, C), jnp.int32),
        [pltpu.VMEM((C, DH), jnp.float32)] * 4,
        [pltpu.SemaphoreType.DMA] * 4,
        [pltpu.SemaphoreType.DMA] * 4,
    ],
    compiler_params=pltpu.CompilerParams(use_tc_tiling_on_sc=False),
)
def _sc_layer(y_hbm, src_hbm, dst_hbm, zero_hbm, out_hbm, table_sh, accum_sh,
              stage_v, sidx_v, didx_v, gbufs, gsems, ssems):
    cid = lax.axis_index("c")
    sid = lax.axis_index("s")
    wid = sid * NC + cid
    rows = pl.ds(sid * NT, NT)
    pltpu.sync_copy(y_hbm.at[rows], stage_v)
    pltpu.sync_copy(stage_v, table_sh.at[rows])
    pltpu.sync_copy(zero_hbm.at[rows], stage_v)
    pltpu.sync_copy(stage_v, accum_sh.at[rows])
    pltpu.sync_copy(src_hbm.at[wid], sidx_v)
    pltpu.sync_copy(dst_hbm.at[wid], didx_v)
    plsc.subcore_barrier()

    def gstart(k, b):
        pltpu.async_copy(table_sh.at[sidx_v.at[k]], gbufs[b], gsems[b])

    def gwait(k, b):
        pltpu.make_async_copy(table_sh.at[sidx_v.at[k]], gbufs[b],
                              gsems[b]).wait()

    def sstart(k, b):
        pltpu.async_copy(gbufs[b], accum_sh.at[didx_v.at[k]], ssems[b],
                         add=True)

    def swait(k, b):
        pltpu.make_async_copy(gbufs[b], accum_sh.at[didx_v.at[k]],
                              ssems[b]).wait()

    gstart(0, 0)
    gstart(1, 1)
    gwait(0, 0)
    sstart(0, 0)
    gstart(2, 2)
    gwait(1, 1)
    sstart(1, 1)
    gstart(3, 3)

    def steady(i, carry):
        k0 = 2 + 4 * i
        for b in range(4):
            k = k0 + b
            bb = (2 + b) % 4
            gwait(k, bb)
            sstart(k, bb)
            swait(k - 2, (bb + 2) % 4)
            gstart(k + 2, (bb + 2) % 4)
        return carry

    lax.fori_loop(0, (K - 4) // 4, steady, 0)

    gwait(K - 2, (K - 2) % 4)
    sstart(K - 2, (K - 2) % 4)
    swait(K - 4, (K - 4) % 4)
    gwait(K - 1, (K - 1) % 4)
    sstart(K - 1, (K - 1) % 4)
    swait(K - 3, (K - 3) % 4)
    swait(K - 2, (K - 2) % 4)
    swait(K - 1, (K - 1) % 4)
    plsc.subcore_barrier()
    pltpu.sync_copy(accum_sh.at[rows], stage_v)
    pltpu.sync_copy(stage_v, out_hbm.at[cid, rows])


def _bias128(b_ref):
    b = b_ref[...]
    return jnp.concatenate([b, b, b, b], axis=1)


def _rowmask():
    return (lax.broadcasted_iota(jnp.int32, (NR, 128), 0)
            < NG).astype(jnp.float32)


def _tc_scale_body(cnt_ref, x4_ref, wblk_ref, yp_ref, dinvr_ref):
    crow = cnt_ref[0] + cnt_ref[1]
    dinvr = lax.rsqrt(crow + 1.0)
    dinvr_ref[...] = dinvr
    xw = jnp.dot(x4_ref[...], wblk_ref[...],
                 preferred_element_type=jnp.float32,
                 precision=lax.Precision.HIGHEST)
    xw_full = jnp.concatenate(
        [xw, jnp.zeros((NR - NG, 128), jnp.float32)], axis=0)
    yp_ref[...] = xw_full * dinvr


def _tc_mid_body(p_ref, yp_ref, dinvr_ref, b_ref, wblk_ref, out_ref):
    agg = p_ref[0] + p_ref[1] + yp_ref[...]
    h = jnp.maximum(dinvr_ref[...] * agg + _bias128(b_ref), 0.0)
    y2 = jnp.dot(h, wblk_ref[...], preferred_element_type=jnp.float32,
                 precision=lax.Precision.HIGHEST)
    out_ref[...] = y2 * dinvr_ref[...] * _rowmask()


def _tc_final_body(q_ref, yp_ref, dinvr_ref, b_ref, batch4_ref, wr_ref,
                   br_ref, out_ref):
    agg = q_ref[0] + q_ref[1] + yp_ref[...]
    h = jnp.maximum(dinvr_ref[...] * agg + _bias128(b_ref), 0.0)
    gids = lax.broadcasted_iota(jnp.int32, (G, NR), 0)
    pool = jnp.zeros((G, DH), jnp.float32)
    cntg = jnp.zeros((G, 1), jnp.float32)
    ones_r = jnp.ones((NR, 1), jnp.float32)
    for j in range(4):
        ohj = (batch4_ref[j:j + 1, :] == gids).astype(jnp.float32)
        pool = pool + lax.dot_general(
            ohj, h[:, 32 * j:32 * j + 32], (((1,), (0,)), ((), ())),
            preferred_element_type=jnp.float32,
            precision=lax.Precision.HIGHEST)
        cntg = cntg + lax.dot_general(
            ohj, ones_r, (((1,), (0,)), ((), ())),
            preferred_element_type=jnp.float32,
            precision=lax.Precision.HIGHEST)
    mean = pool / jnp.maximum(cntg, 1.0)
    out_ref[...] = jnp.dot(mean, wr_ref[...],
                           preferred_element_type=jnp.float32,
                           precision=lax.Precision.HIGHEST) + br_ref[...]


_tc_scale = pl.pallas_call(
    _tc_scale_body,
    out_shape=(
        jax.ShapeDtypeStruct((NR, 128), jnp.float32),
        jax.ShapeDtypeStruct((NR, 128), jnp.float32),
    ),
)

_tc_mid = pl.pallas_call(
    _tc_mid_body,
    out_shape=jax.ShapeDtypeStruct((NR, 128), jnp.float32),
)

_tc_final = pl.pallas_call(
    _tc_final_body,
    out_shape=jax.ShapeDtypeStruct((G, DOUT), jnp.float32),
)


def _blockdiag4(w):
    d_in, d_out = w.shape
    out = jnp.zeros((4 * d_in, 4 * d_out), w.dtype)
    for j in range(4):
        out = lax.dynamic_update_slice(out, w, (j * d_in, j * d_out))
    return out


def kernel(x, edge_index, batch, W1, b1, W2, b2, Wr, br):
    src = edge_index[0]
    dst = edge_index[1]
    pad = jnp.full((EP - E,), N, jnp.int32)
    srcp = jnp.concatenate([src, pad]).reshape(NW, K, C)
    dstp = jnp.concatenate([dst, pad]).reshape(NW, K, C)
    zeros = jnp.zeros((NPAD, DH), jnp.float32)
    ones_c = jnp.ones((C, CW), jnp.float32)
    x4 = x.reshape(NG, 4 * DIN)
    w1blk = _blockdiag4(W1)
    w2blk = _blockdiag4(W2)
    batch4 = jnp.concatenate(
        [batch, jnp.full((NPAD - N,), -1, jnp.int32)]).reshape(NR, 4).T
    b1r = b1.reshape(1, DH)
    b2r = b2.reshape(1, DH)
    brr = br.reshape(1, DOUT)

    cnt = _sc_count(dstp, ones_c, zeros)
    y1p128, dinvr = _tc_scale(cnt.reshape(NC, NR, 128), x4, w1blk)
    p = _sc_layer(y1p128.reshape(NPAD, DH), srcp, dstp, zeros)
    y2p128 = _tc_mid(p.reshape(NC, NR, 128), y1p128, dinvr, b1r, w2blk)
    q = _sc_layer(y2p128.reshape(NPAD, DH), srcp, dstp, zeros)
    return _tc_final(q.reshape(NC, NR, 128), y2p128, dinvr, b2r, batch4,
                     Wr, brr)

# --- scband reference (transcript-rebuilt; emitter-appended) ---
"""Pipeline reference for scband-snake-body-encoder-66614942761413 (READ-ONLY COPY).

The authoritative reference and input builder live on the scoring server;
editing this copy changes nothing except your own understanding.
"""

import jax, jax.numpy as jnp
import numpy as np

N = 10000      # nodes
E = 320000     # edges
DIN = 128      # input_dim
DH = 32        # hidden_dim
DOUT = 32      # output_dim
G = 128        # graphs in batch


def setup_inputs(seed: int = 0) -> dict:
    key = jax.random.key(seed)
    ks = jax.random.split(key, 10)
    x = jax.random.normal(ks[0], (N, DIN), dtype=jnp.float32)
    edge_index = jax.random.randint(ks[1], (2, E), 0, N, dtype=jnp.int32)
    batch = jnp.sort(jax.random.randint(ks[2], (N,), 0, G, dtype=jnp.int32))
    W1 = jax.random.normal(ks[3], (DIN, DH), dtype=jnp.float32) * (1.0 / np.sqrt(DIN))
    b1 = jnp.zeros((DH,), dtype=jnp.float32)
    W2 = jax.random.normal(ks[4], (DH, DH), dtype=jnp.float32) * (1.0 / np.sqrt(DH))
    b2 = jnp.zeros((DH,), dtype=jnp.float32)
    Wr = jax.random.normal(ks[5], (DH, DOUT), dtype=jnp.float32) * (1.0 / np.sqrt(DH))
    br = jnp.zeros((DOUT,), dtype=jnp.float32)
    return {"x": x, "edge_index": edge_index, "batch": batch,
            "W1": W1, "b1": b1, "W2": W2, "b2": b2, "Wr": Wr, "br": br}


def _gcn_conv(x, edge_index, W, b):
    # PyG GCNConv: add self-loops, symmetric D^{-1/2}(A+I)D^{-1/2} normalization,
    # linear transform first, then normalized scatter-add aggregation, then bias.
    src = edge_index[0]
    dst = edge_index[1]
    loop = jnp.arange(N, dtype=src.dtype)
    src = jnp.concatenate([src, loop], axis=0)
    dst = jnp.concatenate([dst, loop], axis=0)
    deg = jnp.zeros((N,), dtype=x.dtype).at[dst].add(1.0)
    dinv = jax.lax.rsqrt(jnp.maximum(deg, 1.0))
    norm = dinv[src] * dinv[dst]
    xw = x @ W
    msg = jnp.take(xw, src, axis=0) * norm[:, None]
    out = jnp.zeros((N, W.shape[1]), dtype=x.dtype).at[dst].add(msg)
    return out + b


def reference(x, edge_index, batch, W1, b1, W2, b2, Wr, br):
    h = jax.nn.relu(_gcn_conv(x, edge_index, W1, b1))
    h = jax.nn.relu(_gcn_conv(h, edge_index, W2, b2))
    # global_mean_pool
    s = jax.ops.segment_sum(h, batch, num_segments=G)
    cnt = jax.ops.segment_sum(jnp.ones((N, 1), dtype=h.dtype), batch, num_segments=G)
    h_pool = s / jnp.maximum(cnt, 1.0)
    out = h_pool @ Wr + br
    return out

if __name__ == "__main__":
    import jax
    _d = setup_inputs()
    print(jax.jit(kernel)(*tuple(_d.values())))

</pallas_src>

<mosaic_0001>
#map = affine_map<(d0, d1) -> (0, 0)>
#map1 = affine_map<(d0, d1) -> (0, 0, 0)>
module attributes {stable_mosaic.version = 14 : i64} {
  func.func @_sc_layer(%arg0: i32, %arg1: i32, %arg2: memref<10240x32xf32, #tpu.memory_space<hbm>>, %arg3: memref<32x80x128xi32, #tpu.memory_space<hbm>>, %arg4: memref<32x80x128xi32, #tpu.memory_space<hbm>>, %arg5: memref<10240x32xf32, #tpu.memory_space<hbm>>, %arg6: memref<2x10240x32xf32, #tpu.memory_space<hbm>>, %arg7: memref<10240x32xf32, #tpu.memory_space<vmem_shared>>, %arg8: memref<10240x32xf32, #tpu.memory_space<vmem_shared>>, %arg9: memref<640x32xf32, #tpu.memory_space<vmem>>, %arg10: memref<80x128xi32, #tpu.memory_space<vmem>>, %arg11: memref<80x128xi32, #tpu.memory_space<vmem>>, %arg12: memref<128x32xf32, #tpu.memory_space<vmem>>, %arg13: memref<128x32xf32, #tpu.memory_space<vmem>>, %arg14: memref<128x32xf32, #tpu.memory_space<vmem>>, %arg15: memref<128x32xf32, #tpu.memory_space<vmem>>, %arg16: memref<!tpu.dma_semaphore, #tpu.memory_space<semaphore_mem>>, %arg17: memref<!tpu.dma_semaphore, #tpu.memory_space<semaphore_mem>>, %arg18: memref<!tpu.dma_semaphore, #tpu.memory_space<semaphore_mem>>, %arg19: memref<!tpu.dma_semaphore, #tpu.memory_space<semaphore_mem>>, %arg20: memref<!tpu.dma_semaphore, #tpu.memory_space<semaphore_mem>>, %arg21: memref<!tpu.dma_semaphore, #tpu.memory_space<semaphore_mem>>, %arg22: memref<!tpu.dma_semaphore, #tpu.memory_space<semaphore_mem>>, %arg23: memref<!tpu.dma_semaphore, #tpu.memory_space<semaphore_mem>>) attributes {dimension_semantics = [#tpu.dimension_semantics<core_parallel>, #tpu.dimension_semantics<subcore_parallel>], iteration_bounds = array<i64: 2, 16>, scalar_prefetch = 0 : i64, scratch_operands = 17 : i64, tpu.core_type = #tpu.core_type<sc_vector_subcore>, window_params = [{transform_indices = #map}, {transform_indices = #map1}, {transform_indices = #map1}, {transform_indices = #map}, {transform_indices = #map1}]} {
    %mul3A = arith.constant 2 : i32
    %mul3A_0 = arith.muli %arg1, %mul3A : i32
    %add3A = arith.addi %mul3A_0, %arg0 : i32
    %mul3A_1 = arith.constant 640 : i32
    %mul3A_2 = arith.muli %arg1, %mul3A_1 : i32
    "tpu.region"() ({
      %run_scoped3A = tpu.sem_alloc : memref<!tpu.dma_semaphore, #tpu.memory_space<semaphore_mem>>
      %dma_start3A_119 = arith.constant 0 : i32
      %dma_start3A_120 = tpu.memref_slice %arg2[%mul3A_2, %dma_start3A_119] : memref<10240x32xf32, #tpu.memory_space<hbm>> -> memref<640x32xf32, #tpu.memory_space<hbm>>
      %dma_start3A_121 = arith.constant 0 : i32
      %dma_start3A_122 = tpu.memref_slice %arg2[%mul3A_2, %dma_start3A_121] : memref<10240x32xf32, #tpu.memory_space<hbm>> -> memref<640x32xf32, #tpu.memory_space<hbm>>
      tpu.enqueue_dma source(%dma_start3A_122 : memref<640x32xf32, #tpu.memory_space<hbm>>) target(%arg9 : memref<640x32xf32, #tpu.memory_space<vmem>>) target_semaphore(%run_scoped3A : memref<!tpu.dma_semaphore, #tpu.memory_space<semaphore_mem>>)
      %dma_wait3A_123 = arith.constant 0 : i32
      %dma_wait3A_124 = tpu.memref_slice %arg2[%mul3A_2, %dma_wait3A_123] : memref<10240x32xf32, #tpu.memory_space<hbm>> -> memref<640x32xf32, #tpu.memory_space<hbm>>
      %dma_wait3A_125 = arith.constant 0 : i32
      %dma_wait3A_126 = tpu.memref_slice %arg2[%mul3A_2, %dma_wait3A_125] : memref<10240x32xf32, #tpu.memory_space<hbm>> -> memref<640x32xf32, #tpu.memory_space<hbm>>
      tpu.wait_dma2 semaphore(%run_scoped3A : memref<!tpu.dma_semaphore, #tpu.memory_space<semaphore_mem>>) src(%dma_wait3A_126 : memref<640x32xf32, #tpu.memory_space<hbm>>) dst(%arg9 : memref<640x32xf32, #tpu.memory_space<vmem>>)
      tpu.yield
    }) : () -> ()
    "tpu.region"() ({
      %run_scoped3A = tpu.sem_alloc : memref<!tpu.dma_semaphore, #tpu.memory_space<semaphore_mem>>
      %dma_start3A_119 = arith.constant 0 : i32
      %dma_start3A_120 = tpu.memref_slice %arg7[%mul3A_2, %dma_start3A_119] : memref<10240x32xf32, #tpu.memory_space<vmem_shared>> -> memref<640x32xf32, #tpu.memory_space<vmem_shared>>
      %dma_start3A_121 = arith.constant 0 : i32
      %dma_start3A_122 = tpu.memref_slice %arg7[%mul3A_2, %dma_start3A_121] : memref<10240x32xf32, #tpu.memory_space<vmem_shared>> -> memref<640x32xf32, #tpu.memory_space<vmem_shared>>
      tpu.enqueue_dma source(%arg9 : memref<640x32xf32, #tpu.memory_space<vmem>>) target(%dma_start3A_122 : memref<640x32xf32, #tpu.memory_space<vmem_shared>>) target_semaphore(%run_scoped3A : memref<!tpu.dma_semaphore, #tpu.memory_space<semaphore_mem>>)
      %dma_wait3A_123 = arith.constant 0 : i32
      %dma_wait3A_124 = tpu.memref_slice %arg7[%mul3A_2, %dma_wait3A_123] : memref<10240x32xf32, #tpu.memory_space<vmem_shared>> -> memref<640x32xf32, #tpu.memory_space<vmem_shared>>
      %dma_wait3A_125 = arith.constant 0 : i32
      %dma_wait3A_126 = tpu.memref_slice %arg7[%mul3A_2, %dma_wait3A_125] : memref<10240x32xf32, #tpu.memory_space<vmem_shared>> -> memref<640x32xf32, #tpu.memory_space<vmem_shared>>
      tpu.wait_dma2 semaphore(%run_scoped3A : memref<!tpu.dma_semaphore, #tpu.memory_space<semaphore_mem>>) src(%arg9 : memref<640x32xf32, #tpu.memory_space<vmem>>) dst(%dma_wait3A_126 : memref<640x32xf32, #tpu.memory_space<vmem_shared>>)
      tpu.yield
    }) : () -> ()
    "tpu.region"() ({
      %run_scoped3A = tpu.sem_alloc : memref<!tpu.dma_semaphore, #tpu.memory_space<semaphore_mem>>
      %dma_start3A_119 = arith.constant 0 : i32
      %dma_start3A_120 = tpu.memref_slice %arg5[%mul3A_2, %dma_start3A_119] : memref<10240x32xf32, #tpu.memory_space<hbm>> -> memref<640x32xf32, #tpu.memory_space<hbm>>
      %dma_start3A_121 = arith.constant 0 : i32
      %dma_start3A_122 = tpu.memref_slice %arg5[%mul3A_2, %dma_start3A_121] : memref<10240x32xf32, #tpu.memory_space<hbm>> -> memref<640x32xf32, #tpu.memory_space<hbm>>
      tpu.enqueue_dma source(%dma_start3A_122 : memref<640x32xf32, #tpu.memory_space<hbm>>) target(%arg9 : memref<640x32xf32, #tpu.memory_space<vmem>>) target_semaphore(%run_scoped3A : memref<!tpu.dma_semaphore, #tpu.memory_space<semaphore_mem>>)
      %dma_wait3A_123 = arith.constant 0 : i32
      %dma_wait3A_124 = tpu.memref_slice %arg5[%mul3A_2, %dma_wait3A_123] : memref<10240x32xf32, #tpu.memory_space<hbm>> -> memref<640x32xf32, #tpu.memory_space<hbm>>
      %dma_wait3A_125 = arith.constant 0 : i32
      %dma_wait3A_126 = tpu.memref_slice %arg5[%mul3A_2, %dma_wait3A_125] : memref<10240x32xf32, #tpu.memory_space<hbm>> -> memref<640x32xf32, #tpu.memory_space<hbm>>
      tpu.wait_dma2 semaphore(%run_scoped3A : memref<!tpu.dma_semaphore, #tpu.memory_space<semaphore_mem>>) src(%dma_wait3A_126 : memref<640x32xf32, #tpu.memory_space<hbm>>) dst(%arg9 : memref<640x32xf32, #tpu.memory_space<vmem>>)
      tpu.yield
    }) : () -> ()
    "tpu.region"() ({
      %run_scoped3A = tpu.sem_alloc : memref<!tpu.dma_semaphore, #tpu.memory_space<semaphore_mem>>
      %dma_start3A_119 = arith.constant 0 : i32
      %dma_start3A_120 = tpu.memref_slice %arg8[%mul3A_2, %dma_start3A_119] : memref<10240x32xf32, #tpu.memory_space<vmem_shared>> -> memref<640x32xf32, #tpu.memory_space<vmem_shared>>
      %dma_start3A_121 = arith.constant 0 : i32
      %dma_start3A_122 = tpu.memref_slice %arg8[%mul3A_2, %dma_start3A_121] : memref<10240x32xf32, #tpu.memory_space<vmem_shared>> -> memref<640x32xf32, #tpu.memory_space<vmem_shared>>
      tpu.enqueue_dma source(%arg9 : memref<640x32xf32, #tpu.memory_space<vmem>>) target(%dma_start3A_122 : memref<640x32xf32, #tpu.memory_space<vmem_shared>>) target_semaphore(%run_scoped3A : memref<!tpu.dma_semaphore, #tpu.memory_space<semaphore_mem>>)
      %dma_wait3A_123 = arith.constant 0 : i32
      %dma_wait3A_124 = tpu.memref_slice %arg8[%mul3A_2, %dma_wait3A_123] : memref<10240x32xf32, #tpu.memory_space<vmem_shared>> -> memref<640x32xf32, #tpu.memory_space<vmem_shared>>
      %dma_wait3A_125 = arith.constant 0 : i32
      %dma_wait3A_126 = tpu.memref_slice %arg8[%mul3A_2, %dma_wait3A_125] : memref<10240x32xf32, #tpu.memory_space<vmem_shared>> -> memref<640x32xf32, #tpu.memory_space<vmem_shared>>
      tpu.wait_dma2 semaphore(%run_scoped3A : memref<!tpu.dma_semaphore, #tpu.memory_space<semaphore_mem>>) src(%arg9 : memref<640x32xf32, #tpu.memory_space<vmem>>) dst(%dma_wait3A_126 : memref<640x32xf32, #tpu.memory_space<vmem_shared>>)
      tpu.yield
    }) : () -> ()
    "tpu.region"() ({
      %run_scoped3A = tpu.sem_alloc : memref<!tpu.dma_semaphore, #tpu.memory_space<semaphore_mem>>
      %dma_start3A_119 = arith.constant 0 : i32
      %dma_start3A_120 = arith.constant 0 : i32
      %dma_start3A_121 = tpu.memref_slice %arg3[%add3A, %dma_start3A_119, %dma_start3A_120] : memref<32x80x128xi32, #tpu.memory_space<hbm>> -> memref<1x80x128xi32, #tpu.memory_space<hbm>>
      %dma_start3A_122 = tpu.memref_squeeze %dma_start3A_121 : memref<1x80x128xi32, #tpu.memory_space<hbm>> -> memref<80x128xi32, #tpu.memory_space<hbm>>
      %dma_start3A_123 = arith.constant 0 : i32
      %dma_start3A_124 = arith.constant 0 : i32
      %dma_start3A_125 = tpu.memref_slice %arg3[%add3A, %dma_start3A_123, %dma_start3A_124] : memref<32x80x128xi32, #tpu.memory_space<hbm>> -> memref<1x80x128xi32, #tpu.memory_space<hbm>>
      %dma_start3A_126 = tpu.memref_squeeze %dma_start3A_125 : memref<1x80x128xi32, #tpu.memory_space<hbm>> -> memref<80x128xi32, #tpu.memory_space<hbm>>
      tpu.enqueue_dma source(%dma_start3A_126 : memref<80x128xi32, #tpu.memory_space<hbm>>) target(%arg10 : memref<80x128xi32, #tpu.memory_space<vmem>>) target_semaphore(%run_scoped3A : memref<!tpu.dma_semaphore, #tpu.memory_space<semaphore_mem>>)
      %dma_wait3A_127 = arith.constant 0 : i32
      %dma_wait3A_128 = arith.constant 0 : i32
      %dma_wait3A_129 = tpu.memref_slice %arg3[%add3A, %dma_wait3A_127, %dma_wait3A_128] : memref<32x80x128xi32, #tpu.memory_space<hbm>> -> memref<1x80x128xi32, #tpu.memory_space<hbm>>
      %dma_wait3A_130 = tpu.memref_squeeze %dma_wait3A_129 : memref<1x80x128xi32, #tpu.memory_space<hbm>> -> memref<80x128xi32, #tpu.memory_space<hbm>>
      %dma_wait3A_131 = arith.constant 0 : i32
      %dma_wait3A_132 = arith.constant 0 : i32
      %dma_wait3A_133 = tpu.memref_slice %arg3[%add3A, %dma_wait3A_131, %dma_wait3A_132] : memref<32x80x128xi32, #tpu.memory_space<hbm>> -> memref<1x80x128xi32, #tpu.memory_space<hbm>>
      %dma_wait3A_134 = tpu.memref_squeeze %dma_wait3A_133 : memref<1x80x128xi32, #tpu.memory_space<hbm>> -> memref<80x128xi32, #tpu.memory_space<hbm>>
      tpu.wait_dma2 semaphore(%run_scoped3A : memref<!tpu.dma_semaphore, #tpu.memory_space<semaphore_mem>>) src(%dma_wait3A_134 : memref<80x128xi32, #tpu.memory_space<hbm>>) dst(%arg10 : memref<80x128xi32, #tpu.memory_space<vmem>>)
      tpu.yield
    }) : () -> ()
    "tpu.region"() ({
      %run_scoped3A = tpu.sem_alloc : memref<!tpu.dma_semaphore, #tpu.memory_space<semaphore_mem>>
      %dma_start3A_119 = arith.constant 0 : i32
      %dma_start3A_120 = arith.constant 0 : i32
      %dma_start3A_121 = tpu.memref_slice %arg4[%add3A, %dma_start3A_119, %dma_start3A_120] : memref<32x80x128xi32, #tpu.memory_space<hbm>> -> memref<1x80x128xi32, #tpu.memory_space<hbm>>
      %dma_start3A_122 = tpu.memref_squeeze %dma_start3A_121 : memref<1x80x128xi32, #tpu.memory_space<hbm>> -> memref<80x128xi32, #tpu.memory_space<hbm>>
      %dma_start3A_123 = arith.constant 0 : i32
      %dma_start3A_124 = arith.constant 0 : i32
      %dma_start3A_125 = tpu.memref_slice %arg4[%add3A, %dma_start3A_123, %dma_start3A_124] : memref<32x80x128xi32, #tpu.memory_space<hbm>> -> memref<1x80x128xi32, #tpu.memory_space<hbm>>
      %dma_start3A_126 = tpu.memref_squeeze %dma_start3A_125 : memref<1x80x128xi32, #tpu.memory_space<hbm>> -> memref<80x128xi32, #tpu.memory_space<hbm>>
      tpu.enqueue_dma source(%dma_start3A_126 : memref<80x128xi32, #tpu.memory_space<hbm>>) target(%arg11 : memref<80x128xi32, #tpu.memory_space<vmem>>) target_semaphore(%run_scoped3A : memref<!tpu.dma_semaphore, #tpu.memory_space<semaphore_mem>>)
      %dma_wait3A_127 = arith.constant 0 : i32
      %dma_wait3A_128 = arith.constant 0 : i32
      %dma_wait3A_129 = tpu.memref_slice %arg4[%add3A, %dma_wait3A_127, %dma_wait3A_128] : memref<32x80x128xi32, #tpu.memory_space<hbm>> -> memref<1x80x128xi32, #tpu.memory_space<hbm>>
      %dma_wait3A_130 = tpu.memref_squeeze %dma_wait3A_129 : memref<1x80x128xi32, #tpu.memory_space<hbm>> -> memref<80x128xi32, #tpu.memory_space<hbm>>
      %dma_wait3A_131 = arith.constant 0 : i32
      %dma_wait3A_132 = arith.constant 0 : i32
      %dma_wait3A_133 = tpu.memref_slice %arg4[%add3A, %dma_wait3A_131, %dma_wait3A_132] : memref<32x80x128xi32, #tpu.memory_space<hbm>> -> memref<1x80x128xi32, #tpu.memory_space<hbm>>
      %dma_wait3A_134 = tpu.memref_squeeze %dma_wait3A_133 : memref<1x80x128xi32, #tpu.memory_space<hbm>> -> memref<80x128xi32, #tpu.memory_space<hbm>>
      tpu.wait_dma2 semaphore(%run_scoped3A : memref<!tpu.dma_semaphore, #tpu.memory_space<semaphore_mem>>) src(%dma_wait3A_134 : memref<80x128xi32, #tpu.memory_space<hbm>>) dst(%arg11 : memref<80x128xi32, #tpu.memory_space<vmem>>)
      tpu.yield
    }) : () -> ()
    %barrier3A = arith.constant 0 : index
    tpu.barrier barrier_id(%barrier3A)
    %dma_start3A = arith.constant 0 : i32
    %dma_start3A_3 = arith.constant 0 : i32
    %dma_start3A_4 = tpu.memref_slice %arg10[%dma_start3A, %dma_start3A_3] : memref<80x128xi32, #tpu.memory_space<vmem>> -> memref<1x128xi32, #tpu.memory_space<vmem>>
    %dma_start3A_5 = tpu.memref_squeeze %dma_start3A_4 : memref<1x128xi32, #tpu.memory_space<vmem>> -> memref<128xi32, #tpu.memory_space<vmem>>
    %dma_start3A_6 = arith.constant 0 : i32
    %dma_start3A_7 = arith.constant 0 : i32
    %dma_start3A_8 = tpu.memref_slice %arg7[%dma_start3A_6, %dma_start3A_7] : memref<10240x32xf32, #tpu.memory_space<vmem_shared>> -> memref<10240x32xf32, #tpu.memory_space<vmem_shared>>
    tpu.enqueue_indirect_dma source(%dma_start3A_8 : memref<10240x32xf32, #tpu.memory_space<vmem_shared>>) target(%arg12 : memref<128x32xf32, #tpu.memory_space<vmem>>) offsets(%dma_start3A_5 : memref<128xi32, #tpu.memory_space<vmem>>) semaphore(%arg16 : memref<!tpu.dma_semaphore, #tpu.memory_space<semaphore_mem>>)
    %dma_start3A_9 = arith.constant 1 : i32
    %dma_start3A_10 = arith.constant 0 : i32
    %dma_start3A_11 = tpu.memref_slice %arg10[%dma_start3A_9, %dma_start3A_10] : memref<80x128xi32, #tpu.memory_space<vmem>> -> memref<1x128xi32, #tpu.memory_space<vmem>>
    %dma_start3A_12 = tpu.memref_squeeze %dma_start3A_11 : memref<1x128xi32, #tpu.memory_space<vmem>> -> memref<128xi32, #tpu.memory_space<vmem>>
    %dma_start3A_13 = arith.constant 0 : i32
    %dma_start3A_14 = arith.constant 0 : i32
    %dma_start3A_15 = tpu.memref_slice %arg7[%dma_start3A_13, %dma_start3A_14] : memref<10240x32xf32, #tpu.memory_space<vmem_shared>> -> memref<10240x32xf32, #tpu.memory_space<vmem_shared>>
    tpu.enqueue_indirect_dma source(%dma_start3A_15 : memref<10240x32xf32, #tpu.memory_space<vmem_shared>>) target(%arg13 : memref<128x32xf32, #tpu.memory_space<vmem>>) offsets(%dma_start3A_12 : memref<128xi32, #tpu.memory_space<vmem>>) semaphore(%arg17 : memref<!tpu.dma_semaphore, #tpu.memory_space<semaphore_mem>>)
    %dma_wait3A = arith.constant 0 : i32
    %dma_wait3A_16 = arith.constant 0 : i32
    %dma_wait3A_17 = tpu.memref_slice %arg10[%dma_wait3A, %dma_wait3A_16] : memref<80x128xi32, #tpu.memory_space<vmem>> -> memref<1x128xi32, #tpu.memory_space<vmem>>
    %dma_wait3A_18 = tpu.memref_squeeze %dma_wait3A_17 : memref<1x128xi32, #tpu.memory_space<vmem>> -> memref<128xi32, #tpu.memory_space<vmem>>
    %dma_wait3A_19 = arith.constant 0 : i32
    %dma_wait3A_20 = arith.constant 0 : i32
    %dma_wait3A_21 = tpu.memref_slice %arg7[%dma_wait3A_19, %dma_wait3A_20] : memref<10240x32xf32, #tpu.memory_space<vmem_shared>> -> memref<10240x32xf32, #tpu.memory_space<vmem_shared>>
    tpu.wait_indirect_dma semaphore(%arg16 : memref<!tpu.dma_semaphore, #tpu.memory_space<semaphore_mem>>) src(%dma_wait3A_21 : memref<10240x32xf32, #tpu.memory_space<vmem_shared>>) dst(%arg12 : memref<128x32xf32, #tpu.memory_space<vmem>>)
    %dma_start3A_22 = arith.constant 0 : i32
    %dma_start3A_23 = arith.constant 0 : i32
    %dma_start3A_24 = tpu.memref_slice %arg11[%dma_start3A_22, %dma_start3A_23] : memref<80x128xi32, #tpu.memory_space<vmem>> -> memref<1x128xi32, #tpu.memory_space<vmem>>
    %dma_start3A_25 = tpu.memref_squeeze %dma_start3A_24 : memref<1x128xi32, #tpu.memory_space<vmem>> -> memref<128xi32, #tpu.memory_space<vmem>>
    %dma_start3A_26 = arith.constant 0 : i32
    %dma_start3A_27 = arith.constant 0 : i32
    %dma_start3A_28 = tpu.memref_slice %arg8[%dma_start3A_26, %dma_start3A_27] : memref<10240x32xf32, #tpu.memory_space<vmem_shared>> -> memref<10240x32xf32, #tpu.memory_space<vmem_shared>>
    tpu.enqueue_indirect_dma source(%arg12 : memref<128x32xf32, #tpu.memory_space<vmem>>) target(%dma_start3A_28 : memref<10240x32xf32, #tpu.memory_space<vmem_shared>>) offsets(%dma_start3A_25 : memref<128xi32, #tpu.memory_space<vmem>>) semaphore(%arg20 : memref<!tpu.dma_semaphore, #tpu.memory_space<semaphore_mem>>) {add = true}
    %dma_start3A_29 = arith.constant 2 : i32
    %dma_start3A_30 = arith.constant 0 : i32
    %dma_start3A_31 = tpu.memref_slice %arg10[%dma_start3A_29, %dma_start3A_30] : memref<80x128xi32, #tpu.memory_space<vmem>> -> memref<1x128xi32, #tpu.memory_space<vmem>>
    %dma_start3A_32 = tpu.memref_squeeze %dma_start3A_31 : memref<1x128xi32, #tpu.memory_space<vmem>> -> memref<128xi32, #tpu.memory_space<vmem>>
    %dma_start3A_33 = arith.constant 0 : i32
    %dma_start3A_34 = arith.constant 0 : i32
    %dma_start3A_35 = tpu.memref_slice %arg7[%dma_start3A_33, %dma_start3A_34] : memref<10240x32xf32, #tpu.memory_space<vmem_shared>> -> memref<10240x32xf32, #tpu.memory_space<vmem_shared>>
    tpu.enqueue_indirect_dma source(%dma_start3A_35 : memref<10240x32xf32, #tpu.memory_space<vmem_shared>>) target(%arg14 : memref<128x32xf32, #tpu.memory_space<vmem>>) offsets(%dma_start3A_32 : memref<128xi32, #tpu.memory_space<vmem>>) semaphore(%arg18 : memref<!tpu.dma_semaphore, #tpu.memory_space<semaphore_mem>>)
    %dma_wait3A_36 = arith.constant 1 : i32
    %dma_wait3A_37 = arith.constant 0 : i32
    %dma_wait3A_38 = tpu.memref_slice %arg10[%dma_wait3A_36, %dma_wait3A_37] : memref<80x128xi32, #tpu.memory_space<vmem>> -> memref<1x128xi32, #tpu.memory_space<vmem>>
    %dma_wait3A_39 = tpu.memref_squeeze %dma_wait3A_38 : memref<1x128xi32, #tpu.memory_space<vmem>> -> memref<128xi32, #tpu.memory_space<vmem>>
    %dma_wait3A_40 = arith.constant 0 : i32
    %dma_wait3A_41 = arith.constant 0 : i32
    %dma_wait3A_42 = tpu.memref_slice %arg7[%dma_wait3A_40, %dma_wait3A_41] : memref<10240x32xf32, #tpu.memory_space<vmem_shared>> -> memref<10240x32xf32, #tpu.memory_space<vmem_shared>>
    tpu.wait_indirect_dma semaphore(%arg17 : memref<!tpu.dma_semaphore, #tpu.memory_space<semaphore_mem>>) src(%dma_wait3A_42 : memref<10240x32xf32, #tpu.memory_space<vmem_shared>>) dst(%arg13 : memref<128x32xf32, #tpu.memory_space<vmem>>)
    %dma_start3A_43 = arith.constant 1 : i32
    %dma_start3A_44 = arith.constant 0 : i32
    %dma_start3A_45 = tpu.memref_slice %arg11[%dma_start3A_43, %dma_start3A_44] : memref<80x128xi32, #tpu.memory_space<vmem>> -> memref<1x128xi32, #tpu.memory_space<vmem>>
    %dma_start3A_46 = tpu.memref_squeeze %dma_start3A_45 : memref<1x128xi32, #tpu.memory_space<vmem>> -> memref<128xi32, #tpu.memory_space<vmem>>
    %dma_start3A_47 = arith.constant 0 : i32
    %dma_start3A_48 = arith.constant 0 : i32
    %dma_start3A_49 = tpu.memref_slice %arg8[%dma_start3A_47, %dma_start3A_48] : memref<10240x32xf32, #tpu.memory_space<vmem_shared>> -> memref<10240x32xf32, #tpu.memory_space<vmem_shared>>
    tpu.enqueue_indirect_dma source(%arg13 : memref<128x32xf32, #tpu.memory_space<vmem>>) target(%dma_start3A_49 : memref<10240x32xf32, #tpu.memory_space<vmem_shared>>) offsets(%dma_start3A_46 : memref<128xi32, #tpu.memory_space<vmem>>) semaphore(%arg21 : memref<!tpu.dma_semaphore, #tpu.memory_space<semaphore_mem>>) {add = true}
    %dma_start3A_50 = arith.constant 3 : i32
    %dma_start3A_51 = arith.constant 0 : i32
    %dma_start3A_52 = tpu.memref_slice %arg10[%dma_start3A_50, %dma_start3A_51] : memref<80x128xi32, #tpu.memory_space<vmem>> -> memref<1x128xi32, #tpu.memory_space<vmem>>
    %dma_start3A_53 = tpu.memref_squeeze %dma_start3A_52 : memref<1x128xi32, #tpu.memory_space<vmem>> -> memref<128xi32, #tpu.memory_space<vmem>>
    %dma_start3A_54 = arith.constant 0 : i32
    %dma_start3A_55 = arith.constant 0 : i32
    %dma_start3A_56 = tpu.memref_slice %arg7[%dma_start3A_54, %dma_start3A_55] : memref<10240x32xf32, #tpu.memory_space<vmem_shared>> -> memref<10240x32xf32, #tpu.memory_space<vmem_shared>>
    tpu.enqueue_indirect_dma source(%dma_start3A_56 : memref<10240x32xf32, #tpu.memory_space<vmem_shared>>) target(%arg15 : memref<128x32xf32, #tpu.memory_space<vmem>>) offsets(%dma_start3A_53 : memref<128xi32, #tpu.memory_space<vmem>>) semaphore(%arg19 : memref<!tpu.dma_semaphore, #tpu.memory_space<semaphore_mem>>)
    %scan3A = arith.constant 0 : i32
    %scan3A_57 = arith.constant 0 : i32
    %scan3A_58 = arith.constant 19 : i32
    %scan3A_59 = arith.addi %scan3A_57, %scan3A_58 : i32
    %scan3A_60 = arith.constant 1 : i32
    scf.for %scan3A_119 = %scan3A_57 to %scan3A_59 step %scan3A_60  : i32 {
      %mul3A_120 = arith.constant 4 : i32
      %mul3A_121 = arith.muli %mul3A_120, %scan3A_119 : i32
      %add3A_122 = arith.constant 2 : i32
      %add3A_123 = arith.addi %add3A_122, %mul3A_121 : i32
      %add3A_124 = arith.constant 0 : i32
      %add3A_125 = arith.addi %add3A_123, %add3A_124 : i32
      %dma_wait3A_126 = arith.constant 0 : i32
      %dma_wait3A_127 = tpu.memref_slice %arg10[%add3A_125, %dma_wait3A_126] : memref<80x128xi32, #tpu.memory_space<vmem>> -> memref<1x128xi32, #tpu.memory_space<vmem>>
      %dma_wait3A_128 = tpu.memref_squeeze %dma_wait3A_127 : memref<1x128xi32, #tpu.memory_space<vmem>> -> memref<128xi32, #tpu.memory_space<vmem>>
      %dma_wait3A_129 = arith.constant 0 : i32
      %dma_wait3A_130 = arith.constant 0 : i32
      %dma_wait3A_131 = tpu.memref_slice %arg7[%dma_wait3A_129, %dma_wait3A_130] : memref<10240x32xf32, #tpu.memory_space<vmem_shared>> -> memref<10240x32xf32, #tpu.memory_space<vmem_shared>>
      tpu.wait_indirect_dma semaphore(%arg18 : memref<!tpu.dma_semaphore, #tpu.memory_space<semaphore_mem>>) src(%dma_wait3A_131 : memref<10240x32xf32, #tpu.memory_space<vmem_shared>>) dst(%arg14 : memref<128x32xf32, #tpu.memory_space<vmem>>)
      %dma_start3A_132 = arith.constant 0 : i32
      %dma_start3A_133 = tpu.memref_slice %arg11[%add3A_125, %dma_start3A_132] : memref<80x128xi32, #tpu.memory_space<vmem>> -> memref<1x128xi32, #tpu.memory_space<vmem>>
      %dma_start3A_134 = tpu.memref_squeeze %dma_start3A_133 : memref<1x128xi32, #tpu.memory_space<vmem>> -> memref<128xi32, #tpu.memory_space<vmem>>
      %dma_start3A_135 = arith.constant 0 : i32
      %dma_start3A_136 = arith.constant 0 : i32
      %dma_start3A_137 = tpu.memref_slice %arg8[%dma_start3A_135, %dma_start3A_136] : memref<10240x32xf32, #tpu.memory_space<vmem_shared>> -> memref<10240x32xf32, #tpu.memory_space<vmem_shared>>
      tpu.enqueue_indirect_dma source(%arg14 : memref<128x32xf32, #tpu.memory_space<vmem>>) target(%dma_start3A_137 : memref<10240x32xf32, #tpu.memory_space<vmem_shared>>) offsets(%dma_start3A_134 : memref<128xi32, #tpu.memory_space<vmem>>) semaphore(%arg22 : memref<!tpu.dma_semaphore, #tpu.memory_space<semaphore_mem>>) {add = true}
      %sub3A = arith.constant 2 : i32
      %sub3A_138 = arith.subi %add3A_125, %sub3A : i32
      %dma_wait3A_139 = arith.constant 0 : i32
      %dma_wait3A_140 = tpu.memref_slice %arg11[%sub3A_138, %dma_wait3A_139] : memref<80x128xi32, #tpu.memory_space<vmem>> -> memref<1x128xi32, #tpu.memory_space<vmem>>
      %dma_wait3A_141 = tpu.memref_squeeze %dma_wait3A_140 : memref<1x128xi32, #tpu.memory_space<vmem>> -> memref<128xi32, #tpu.memory_space<vmem>>
      %dma_wait3A_142 = arith.constant 0 : i32
      %dma_wait3A_143 = arith.constant 0 : i32
      %dma_wait3A_144 = tpu.memref_slice %arg8[%dma_wait3A_142, %dma_wait3A_143] : memref<10240x32xf32, #tpu.memory_space<vmem_shared>> -> memref<10240x32xf32, #tpu.memory_space<vmem_shared>>
      tpu.wait_indirect_dma semaphore(%arg20 : memref<!tpu.dma_semaphore, #tpu.memory_space<semaphore_mem>>) src(%arg12 : memref<128x32xf32, #tpu.memory_space<vmem>>) dst(%dma_wait3A_144 : memref<10240x32xf32, #tpu.memory_space<vmem_shared>>)
      %add3A_145 = arith.constant 2 : i32
      %add3A_146 = arith.addi %add3A_125, %add3A_145 : i32
      %dma_start3A_147 = arith.constant 0 : i32
      %dma_start3A_148 = tpu.memref_slice %arg10[%add3A_146, %dma_start3A_147] : memref<80x128xi32, #tpu.memory_space<vmem>> -> memref<1x128xi32, #tpu.memory_space<vmem>>
      %dma_start3A_149 = tpu.memref_squeeze %dma_start3A_148 : memref<1x128xi32, #tpu.memory_space<vmem>> -> memref<128xi32, #tpu.memory_space<vmem>>
      %dma_start3A_150 = arith.constant 0 : i32
      %dma_start3A_151 = arith.constant 0 : i32
      %dma_start3A_152 = tpu.memref_slice %arg7[%dma_start3A_150, %dma_start3A_151] : memref<10240x32xf32, #tpu.memory_space<vmem_shared>> -> memref<10240x32xf32, #tpu.memory_space<vmem_shared>>
      tpu.enqueue_indirect_dma source(%dma_start3A_152 : memref<10240x32xf32, #tpu.memory_space<vmem_shared>>) target(%arg12 : memref<128x32xf32, #tpu.memory_space<vmem>>) offsets(%dma_start3A_149 : memref<128xi32, #tpu.memory_space<vmem>>) semaphore(%arg16 : memref<!tpu.dma_semaphore, #tpu.memory_space<semaphore_mem>>)
      %add3A_153 = arith.constant 1 : i32
      %add3A_154 = arith.addi %add3A_123, %add3A_153 : i32
      %dma_wait3A_155 = arith.constant 0 : i32
      %dma_wait3A_156 = tpu.memref_slice %arg10[%add3A_154, %dma_wait3A_155] : memref<80x128xi32, #tpu.memory_space<vmem>> -> memref<1x128xi32, #tpu.memory_space<vmem>>
      %dma_wait3A_157 = tpu.memref_squeeze %dma_wait3A_156 : memref<1x128xi32, #tpu.memory_space<vmem>> -> memref<128xi32, #tpu.memory_space<vmem>>
      %dma_wait3A_158 = arith.constant 0 : i32
      %dma_wait3A_159 = arith.constant 0 : i32
      %dma_wait3A_160 = tpu.memref_slice %arg7[%dma_wait3A_158, %dma_wait3A_159] : memref<10240x32xf32, #tpu.memory_space<vmem_shared>> -> memref<10240x32xf32, #tpu.memory_space<vmem_shared>>
      tpu.wait_indirect_dma semaphore(%arg19 : memref<!tpu.dma_semaphore, #tpu.memory_space<semaphore_mem>>) src(%dma_wait3A_160 : memref<10240x32xf32, #tpu.memory_space<vmem_shared>>) dst(%arg15 : memref<128x32xf32, #tpu.memory_space<vmem>>)
      %dma_start3A_161 = arith.constant 0 : i32
      %dma_start3A_162 = tpu.memref_slice %arg11[%add3A_154, %dma_start3A_161] : memref<80x128xi32, #tpu.memory_space<vmem>> -> memref<1x128xi32, #tpu.memory_space<vmem>>
      %dma_start3A_163 = tpu.memref_squeeze %dma_start3A_162 : memref<1x128xi32, #tpu.memory_space<vmem>> -> memref<128xi32, #tpu.memory_space<vmem>>
      %dma_start3A_164 = arith.constant 0 : i32
      %dma_start3A_165 = arith.constant 0 : i32
      %dma_start3A_166 = tpu.memref_slice %arg8[%dma_start3A_164, %dma_start3A_165] : memref<10240x32xf32, #tpu.memory_space<vmem_shared>> -> memref<10240x32xf32, #tpu.memory_space<vmem_shared>>
      tpu.enqueue_indirect_dma source(%arg15 : memref<128x32xf32, #tpu.memory_space<vmem>>) target(%dma_start3A_166 : memref<10240x32xf32, #tpu.memory_space<vmem_shared>>) offsets(%dma_start3A_163 : memref<128xi32, #tpu.memory_space<vmem>>) semaphore(%arg23 : memref<!tpu.dma_semaphore, #tpu.memory_space<semaphore_mem>>) {add = true}
      %sub3A_167 = arith.constant 2 : i32
      %sub3A_168 = arith.subi %add3A_154, %sub3A_167 : i32
      %dma_wait3A_169 = arith.constant 0 : i32
      %dma_wait3A_170 = tpu.memref_slice %arg11[%sub3A_168, %dma_wait3A_169] : memref<80x128xi32, #tpu.memory_space<vmem>> -> memref<1x128xi32, #tpu.memory_space<vmem>>
      %dma_wait3A_171 = tpu.memref_squeeze %dma_wait3A_170 : memref<1x128xi32, #tpu.memory_space<vmem>> -> memref<128xi32, #tpu.memory_space<vmem>>
      %dma_wait3A_172 = arith.constant 0 : i32
      %dma_wait3A_173 = arith.constant 0 : i32
      %dma_wait3A_174 = tpu.memref_slice %arg8[%dma_wait3A_172, %dma_wait3A_173] : memref<10240x32xf32, #tpu.memory_space<vmem_shared>> -> memref<10240x32xf32, #tpu.memory_space<vmem_shared>>
      tpu.wait_indirect_dma semaphore(%arg21 : memref<!tpu.dma_semaphore, #tpu.memory_space<semaphore_mem>>) src(%arg13 : memref<128x32xf32, #tpu.memory_space<vmem>>) dst(%dma_wait3A_174 : memref<10240x32xf32, #tpu.memory_space<vmem_shared>>)
      %add3A_175 = arith.constant 2 : i32
      %add3A_176 = arith.addi %add3A_154, %add3A_175 : i32
      %dma_start3A_177 = arith.constant 0 : i32
      %dma_start3A_178 = tpu.memref_slice %arg10[%add3A_176, %dma_start3A_177] : memref<80x128xi32, #tpu.memory_space<vmem>> -> memref<1x128xi32, #tpu.memory_space<vmem>>
      %dma_start3A_179 = tpu.memref_squeeze %dma_start3A_178 : memref<1x128xi32, #tpu.memory_space<vmem>> -> memref<128xi32, #tpu.memory_space<vmem>>
      %dma_start3A_180 = arith.constant 0 : i32
      %dma_start3A_181 = arith.constant 0 : i32
      %dma_start3A_182 = tpu.memref_slice %arg7[%dma_start3A_180, %dma_start3A_181] : memref<10240x32xf32, #tpu.memory_space<vmem_shared>> -> memref<10240x32xf32, #tpu.memory_space<vmem_shared>>
      tpu.enqueue_indirect_dma source(%dma_start3A_182 : memref<10240x32xf32, #tpu.memory_space<vmem_shared>>) target(%arg13 : memref<128x32xf32, #tpu.memory_space<vmem>>) offsets(%dma_start3A_179 : memref<128xi32, #tpu.memory_space<vmem>>) semaphore(%arg17 : memref<!tpu.dma_semaphore, #tpu.memory_space<semaphore_mem>>)
      %add3A_183 = arith.constant 2 : i32
      %add3A_184 = arith.addi %add3A_123, %add3A_183 : i32
      %dma_wait3A_185 = arith.constant 0 : i32
      %dma_wait3A_186 = tpu.memref_slice %arg10[%add3A_184, %dma_wait3A_185] : memref<80x128xi32, #tpu.memory_space<vmem>> -> memref<1x128xi32, #tpu.memory_space<vmem>>
      %dma_wait3A_187 = tpu.memref_squeeze %dma_wait3A_186 : memref<1x128xi32, #tpu.memory_space<vmem>> -> memref<128xi32, #tpu.memory_space<vmem>>
      %dma_wait3A_188 = arith.constant 0 : i32
      %dma_wait3A_189 = arith.constant 0 : i32
      %dma_wait3A_190 = tpu.memref_slice %arg7[%dma_wait3A_188, %dma_wait3A_189] : memref<10240x32xf32, #tpu.memory_space<vmem_shared>> -> memref<10240x32xf32, #tpu.memory_space<vmem_shared>>
      tpu.wait_indirect_dma semaphore(%arg16 : memref<!tpu.dma_semaphore, #tpu.memory_space<semaphore_mem>>) src(%dma_wait3A_190 : memref<10240x32xf32, #tpu.memory_space<vmem_shared>>) dst(%arg12 : memref<128x32xf32, #tpu.memory_space<vmem>>)
      %dma_start3A_191 = arith.constant 0 : i32
      %dma_start3A_192 = tpu.memref_slice %arg11[%add3A_184, %dma_start3A_191] : memref<80x128xi32, #tpu.memory_space<vmem>> -> memref<1x128xi32, #tpu.memory_space<vmem>>
      %dma_start3A_193 = tpu.memref_squeeze %dma_start3A_192 : memref<1x128xi32, #tpu.memory_space<vmem>> -> memref<128xi32, #tpu.memory_space<vmem>>
      %dma_start3A_194 = arith.constant 0 : i32
      %dma_start3A_195 = arith.constant 0 : i32
      %dma_start3A_196 = tpu.memref_slice %arg8[%dma_start3A_194, %dma_start3A_195] : memref<10240x32xf32, #tpu.memory_space<vmem_shared>> -> memref<10240x32xf32, #tpu.memory_space<vmem_shared>>
      tpu.enqueue_indirect_dma source(%arg12 : memref<128x32xf32, #tpu.memory_space<vmem>>) target(%dma_start3A_196 : memref<10240x32xf32, #tpu.memory_space<vmem_shared>>) offsets(%dma_start3A_193 : memref<128xi32, #tpu.memory_space<vmem>>) semaphore(%arg20 : memref<!tpu.dma_semaphore, #tpu.memory_space<semaphore_mem>>) {add = true}
      %sub3A_197 = arith.constant 2 : i32
      %sub3A_198 = arith.subi %add3A_184, %sub3A_197 : i32
      %dma_wait3A_199 = arith.constant 0 : i32
      %dma_wait3A_200 = tpu.memref_slice %arg11[%sub3A_198, %dma_wait3A_199] : memref<80x128xi32, #tpu.memory_space<vmem>> -> memref<1x128xi32, #tpu.memory_space<vmem>>
      %dma_wait3A_201 = tpu.memref_squeeze %dma_wait3A_200 : memref<1x128xi32, #tpu.memory_space<vmem>> -> memref<128xi32, #tpu.memory_space<vmem>>
      %dma_wait3A_202 = arith.constant 0 : i32
      %dma_wait3A_203 = arith.constant 0 : i32
      %dma_wait3A_204 = tpu.memref_slice %arg8[%dma_wait3A_202, %dma_wait3A_203] : memref<10240x32xf32, #tpu.memory_space<vmem_shared>> -> memref<10240x32xf32, #tpu.memory_space<vmem_shared>>
      tpu.wait_indirect_dma semaphore(%arg22 : memref<!tpu.dma_semaphore, #tpu.memory_space<semaphore_mem>>) src(%arg14 : memref<128x32xf32, #tpu.memory_space<vmem>>) dst(%dma_wait3A_204 : memref<10240x32xf32, #tpu.memory_space<vmem_shared>>)
      %add3A_205 = arith.constant 2 : i32
      %add3A_206 = arith.addi %add3A_184, %add3A_205 : i32
      %dma_start3A_207 = arith.constant 0 : i32
      %dma_start3A_208 = tpu.memref_slice %arg10[%add3A_206, %dma_start3A_207] : memref<80x128xi32, #tpu.memory_space<vmem>> -> memref<1x128xi32, #tpu.memory_space<vmem>>
      %dma_start3A_209 = tpu.memref_squeeze %dma_start3A_208 : memref<1x128xi32, #tpu.memory_space<vmem>> -> memref<128xi32, #tpu.memory_space<vmem>>
      %dma_start3A_210 = arith.constant 0 : i32
      %dma_start3A_211 = arith.constant 0 : i32
      %dma_start3A_212 = tpu.memref_slice %arg7[%dma_start3A_210, %dma_start3A_211] : memref<10240x32xf32, #tpu.memory_space<vmem_shared>> -> memref<10240x32xf32, #tpu.memory_space<vmem_shared>>
      tpu.enqueue_indirect_dma source(%dma_start3A_212 : memref<10240x32xf32, #tpu.memory_space<vmem_shared>>) target(%arg14 : memref<128x32xf32, #tpu.memory_space<vmem>>) offsets(%dma_start3A_209 : memref<128xi32, #tpu.memory_space<vmem>>) semaphore(%arg18 : memref<!tpu.dma_semaphore, #tpu.memory_space<semaphore_mem>>)
      %add3A_213 = arith.constant 3 : i32
      %add3A_214 = arith.addi %add3A_123, %add3A_213 : i32
      %dma_wait3A_215 = arith.constant 0 : i32
      %dma_wait3A_216 = tpu.memref_slice %arg10[%add3A_214, %dma_wait3A_215] : memref<80x128xi32, #tpu.memory_space<vmem>> -> memref<1x128xi32, #tpu.memory_space<vmem>>
      %dma_wait3A_217 = tpu.memref_squeeze %dma_wait3A_216 : memref<1x128xi32, #tpu.memory_space<vmem>> -> memref<128xi32, #tpu.memory_space<vmem>>
      %dma_wait3A_218 = arith.constant 0 : i32
      %dma_wait3A_219 = arith.constant 0 : i32
      %dma_wait3A_220 = tpu.memref_slice %arg7[%dma_wait3A_218, %dma_wait3A_219] : memref<10240x32xf32, #tpu.memory_space<vmem_shared>> -> memref<10240x32xf32, #tpu.memory_space<vmem_shared>>
      tpu.wait_indirect_dma semaphore(%arg17 : memref<!tpu.dma_semaphore, #tpu.memory_space<semaphore_mem>>) src(%dma_wait3A_220 : memref<10240x32xf32, #tpu.memory_space<vmem_shared>>) dst(%arg13 : memref<128x32xf32, #tpu.memory_space<vmem>>)
      %dma_start3A_221 = arith.constant 0 : i32
      %dma_start3A_222 = tpu.memref_slice %arg11[%add3A_214, %dma_start3A_221] : memref<80x128xi32, #tpu.memory_space<vmem>> -> memref<1x128xi32, #tpu.memory_space<vmem>>
      %dma_start3A_223 = tpu.memref_squeeze %dma_start3A_222 : memref<1x128xi32, #tpu.memory_space<vmem>> -> memref<128xi32, #tpu.memory_space<vmem>>
      %dma_start3A_224 = arith.constant 0 : i32
      %dma_start3A_225 = arith.constant 0 : i32
      %dma_start3A_226 = tpu.memref_slice %arg8[%dma_start3A_224, %dma_start3A_225] : memref<10240x32xf32, #tpu.memory_space<vmem_shared>> -> memref<10240x32xf32, #tpu.memory_space<vmem_shared>>
      tpu.enqueue_indirect_dma source(%arg13 : memref<128x32xf32, #tpu.memory_space<vmem>>) target(%dma_start3A_226 : memref<10240x32xf32, #tpu.memory_space<vmem_shared>>) offsets(%dma_start3A_223 : memref<128xi32, #tpu.memory_space<vmem>>) semaphore(%arg21 : memref<!tpu.dma_semaphore, #tpu.memory_space<semaphore_mem>>) {add = true}
      %sub3A_227 = arith.constant 2 : i32
      %sub3A_228 = arith.subi %add3A_214, %sub3A_227 : i32
      %dma_wait3A_229 = arith.constant 0 : i32
      %dma_wait3A_230 = tpu.memref_slice %arg11[%sub3A_228, %dma_wait3A_229] : memref<80x128xi32, #tpu.memory_space<vmem>> -> memref<1x128xi32, #tpu.memory_space<vmem>>
      %dma_wait3A_231 = tpu.memref_squeeze %dma_wait3A_230 : memref<1x128xi32, #tpu.memory_space<vmem>> -> memref<128xi32, #tpu.memory_space<vmem>>
      %dma_wait3A_232 = arith.constant 0 : i32
      %dma_wait3A_233 = arith.constant 0 : i32
      %dma_wait3A_234 = tpu.memref_slice %arg8[%dma_wait3A_232, %dma_wait3A_233] : memref<10240x32xf32, #tpu.memory_space<vmem_shared>> -> memref<10240x32xf32, #tpu.memory_space<vmem_shared>>
      tpu.wait_indirect_dma semaphore(%arg23 : memref<!tpu.dma_semaphore, #tpu.memory_space<semaphore_mem>>) src(%arg15 : memref<128x32xf32, #tpu.memory_space<vmem>>) dst(%dma_wait3A_234 : memref<10240x32xf32, #tpu.memory_space<vmem_shared>>)
      %add3A_235 = arith.constant 2 : i32
      %add3A_236 = arith.addi %add3A_214, %add3A_235 : i32
      %dma_start3A_237 = arith.constant 0 : i32
      %dma_start3A_238 = tpu.memref_slice %arg10[%add3A_236, %dma_start3A_237] : memref<80x128xi32, #tpu.memory_space<vmem>> -> memref<1x128xi32, #tpu.memory_space<vmem>>
      %dma_start3A_239 = tpu.memref_squeeze %dma_start3A_238 : memref<1x128xi32, #tpu.memory_space<vmem>> -> memref<128xi32, #tpu.memory_space<vmem>>
      %dma_start3A_240 = arith.constant 0 : i32
      %dma_start3A_241 = arith.constant 0 : i32
      %dma_start3A_242 = tpu.memref_slice %arg7[%dma_start3A_240, %dma_start3A_241] : memref<10240x32xf32, #tpu.memory_space<vmem_shared>> -> memref<10240x32xf32, #tpu.memory_space<vmem_shared>>
      tpu.enqueue_indirect_dma source(%dma_start3A_242 : memref<10240x32xf32, #tpu.memory_space<vmem_shared>>) target(%arg15 : memref<128x32xf32, #tpu.memory_space<vmem>>) offsets(%dma_start3A_239 : memref<128xi32, #tpu.memory_space<vmem>>) semaphore(%arg19 : memref<!tpu.dma_semaphore, #tpu.memory_space<semaphore_mem>>)
    }
    %scan3A_61 = arith.constant 19 : i32
    %dma_wait3A_62 = arith.constant 78 : i32
    %dma_wait3A_63 = arith.constant 0 : i32
    %dma_wait3A_64 = tpu.memref_slice %arg10[%dma_wait3A_62, %dma_wait3A_63] : memref<80x128xi32, #tpu.memory_space<vmem>> -> memref<1x128xi32, #tpu.memory_space<vmem>>
    %dma_wait3A_65 = tpu.memref_squeeze %dma_wait3A_64 : memref<1x128xi32, #tpu.memory_space<vmem>> -> memref<128xi32, #tpu.memory_space<vmem>>
    %dma_wait3A_66 = arith.constant 0 : i32
    %dma_wait3A_67 = arith.constant 0 : i32
    %dma_wait3A_68 = tpu.memref_slice %arg7[%dma_wait3A_66, %dma_wait3A_67] : memref<10240x32xf32, #tpu.memory_space<vmem_shared>> -> memref<10240x32xf32, #tpu.memory_space<vmem_shared>>
    tpu.wait_indirect_dma semaphore(%arg18 : memref<!tpu.dma_semaphore, #tpu.memory_space<semaphore_mem>>) src(%dma_wait3A_68 : memref<10240x32xf32, #tpu.memory_space<vmem_shared>>) dst(%arg14 : memref<128x32xf32, #tpu.memory_space<vmem>>)
    %dma_start3A_69 = arith.constant 78 : i32
    %dma_start3A_70 = arith.constant 0 : i32
    %dma_start3A_71 = tpu.memref_slice %arg11[%dma_start3A_69, %dma_start3A_70] : memref<80x128xi32, #tpu.memory_space<vmem>> -> memref<1x128xi32, #tpu.memory_space<vmem>>
    %dma_start3A_72 = tpu.memref_squeeze %dma_start3A_71 : memref<1x128xi32, #tpu.memory_space<vmem>> -> memref<128xi32, #tpu.memory_space<vmem>>
    %dma_start3A_73 = arith.constant 0 : i32
    %dma_start3A_74 = arith.constant 0 : i32
    %dma_start3A_75 = tpu.memref_slice %arg8[%dma_start3A_73, %dma_start3A_74] : memref<10240x32xf32, #tpu.memory_space<vmem_shared>> -> memref<10240x32xf32, #tpu.memory_space<vmem_shared>>
    tpu.enqueue_indirect_dma source(%arg14 : memref<128x32xf32, #tpu.memory_space<vmem>>) target(%dma_start3A_75 : memref<10240x32xf32, #tpu.memory_space<vmem_shared>>) offsets(%dma_start3A_72 : memref<128xi32, #tpu.memory_space<vmem>>) semaphore(%arg22 : memref<!tpu.dma_semaphore, #tpu.memory_space<semaphore_mem>>) {add = true}
    %dma_wait3A_76 = arith.constant 76 : i32
    %dma_wait3A_77 = arith.constant 0 : i32
    %dma_wait3A_78 = tpu.memref_slice %arg11[%dma_wait3A_76, %dma_wait3A_77] : memref<80x128xi32, #tpu.memory_space<vmem>> -> memref<1x128xi32, #tpu.memory_space<vmem>>
    %dma_wait3A_79 = tpu.memref_squeeze %dma_wait3A_78 : memref<1x128xi32, #tpu.memory_space<vmem>> -> memref<128xi32, #tpu.memory_space<vmem>>
    %dma_wait3A_80 = arith.constant 0 : i32
    %dma_wait3A_81 = arith.constant 0 : i32
    %dma_wait3A_82 = tpu.memref_slice %arg8[%dma_wait3A_80, %dma_wait3A_81] : memref<10240x32xf32, #tpu.memory_space<vmem_shared>> -> memref<10240x32xf32, #tpu.memory_space<vmem_shared>>
    tpu.wait_indirect_dma semaphore(%arg20 : memref<!tpu.dma_semaphore, #tpu.memory_space<semaphore_mem>>) src(%arg12 : memref<128x32xf32, #tpu.memory_space<vmem>>) dst(%dma_wait3A_82 : memref<10240x32xf32, #tpu.memory_space<vmem_shared>>)
    %dma_wait3A_83 = arith.constant 79 : i32
    %dma_wait3A_84 = arith.constant 0 : i32
    %dma_wait3A_85 = tpu.memref_slice %arg10[%dma_wait3A_83, %dma_wait3A_84] : memref<80x128xi32, #tpu.memory_space<vmem>> -> memref<1x128xi32, #tpu.memory_space<vmem>>
    %dma_wait3A_86 = tpu.memref_squeeze %dma_wait3A_85 : memref<1x128xi32, #tpu.memory_space<vmem>> -> memref<128xi32, #tpu.memory_space<vmem>>
    %dma_wait3A_87 = arith.constant 0 : i32
    %dma_wait3A_88 = arith.constant 0 : i32
    %dma_wait3A_89 = tpu.memref_slice %arg7[%dma_wait3A_87, %dma_wait3A_88] : memref<10240x32xf32, #tpu.memory_space<vmem_shared>> -> memref<10240x32xf32, #tpu.memory_space<vmem_shared>>
    tpu.wait_indirect_dma semaphore(%arg19 : memref<!tpu.dma_semaphore, #tpu.memory_space<semaphore_mem>>) src(%dma_wait3A_89 : memref<10240x32xf32, #tpu.memory_space<vmem_shared>>) dst(%arg15 : memref<128x32xf32, #tpu.memory_space<vmem>>)
    %dma_start3A_90 = arith.constant 79 : i32
    %dma_start3A_91 = arith.constant 0 : i32
    %dma_start3A_92 = tpu.memref_slice %arg11[%dma_start3A_90, %dma_start3A_91] : memref<80x128xi32, #tpu.memory_space<vmem>> -> memref<1x128xi32, #tpu.memory_space<vmem>>
    %dma_start3A_93 = tpu.memref_squeeze %dma_start3A_92 : memref<1x128xi32, #tpu.memory_space<vmem>> -> memref<128xi32, #tpu.memory_space<vmem>>
    %dma_start3A_94 = arith.constant 0 : i32
    %dma_start3A_95 = arith.constant 0 : i32
    %dma_start3A_96 = tpu.memref_slice %arg8[%dma_start3A_94, %dma_start3A_95] : memref<10240x32xf32, #tpu.memory_space<vmem_shared>> -> memref<10240x32xf32, #tpu.memory_space<vmem_shared>>
    tpu.enqueue_indirect_dma source(%arg15 : memref<128x32xf32, #tpu.memory_space<vmem>>) target(%dma_start3A_96 : memref<10240x32xf32, #tpu.memory_space<vmem_shared>>) offsets(%dma_start3A_93 : memref<128xi32, #tpu.memory_space<vmem>>) semaphore(%arg23 : memref<!tpu.dma_semaphore, #tpu.memory_space<semaphore_mem>>) {add = true}
    %dma_wait3A_97 = arith.constant 77 : i32
    %dma_wait3A_98 = arith.constant 0 : i32
    %dma_wait3A_99 = tpu.memref_slice %arg11[%dma_wait3A_97, %dma_wait3A_98] : memref<80x128xi32, #tpu.memory_space<vmem>> -> memref<1x128xi32, #tpu.memory_space<vmem>>
    %dma_wait3A_100 = tpu.memref_squeeze %dma_wait3A_99 : memref<1x128xi32, #tpu.memory_space<vmem>> -> memref<128xi32, #tpu.memory_space<vmem>>
    %dma_wait3A_101 = arith.constant 0 : i32
    %dma_wait3A_102 = arith.constant 0 : i32
    %dma_wait3A_103 = tpu.memref_slice %arg8[%dma_wait3A_101, %dma_wait3A_102] : memref<10240x32xf32, #tpu.memory_space<vmem_shared>> -> memref<10240x32xf32, #tpu.memory_space<vmem_shared>>
    tpu.wait_indirect_dma semaphore(%arg21 : memref<!tpu.dma_semaphore, #tpu.memory_space<semaphore_mem>>) src(%arg13 : memref<128x32xf32, #tpu.memory_space<vmem>>) dst(%dma_wait3A_103 : memref<10240x32xf32, #tpu.memory_space<vmem_shared>>)
    %dma_wait3A_104 = arith.constant 78 : i32
    %dma_wait3A_105 = arith.constant 0 : i32
    %dma_wait3A_106 = tpu.memref_slice %arg11[%dma_wait3A_104, %dma_wait3A_105] : memref<80x128xi32, #tpu.memory_space<vmem>> -> memref<1x128xi32, #tpu.memory_space<vmem>>
    %dma_wait3A_107 = tpu.memref_squeeze %dma_wait3A_106 : memref<1x128xi32, #tpu.memory_space<vmem>> -> memref<128xi32, #tpu.memory_space<vmem>>
    %dma_wait3A_108 = arith.constant 0 : i32
    %dma_wait3A_109 = arith.constant 0 : i32
    %dma_wait3A_110 = tpu.memref_slice %arg8[%dma_wait3A_108, %dma_wait3A_109] : memref<10240x32xf32, #tpu.memory_space<vmem_shared>> -> memref<10240x32xf32, #tpu.memory_space<vmem_shared>>
    tpu.wait_indirect_dma semaphore(%arg22 : memref<!tpu.dma_semaphore, #tpu.memory_space<semaphore_mem>>) src(%arg14 : memref<128x32xf32, #tpu.memory_space<vmem>>) dst(%dma_wait3A_110 : memref<10240x32xf32, #tpu.memory_space<vmem_shared>>)
    %dma_wait3A_111 = arith.constant 79 : i32
    %dma_wait3A_112 = arith.constant 0 : i32
    %dma_wait3A_113 = tpu.memref_slice %arg11[%dma_wait3A_111, %dma_wait3A_112] : memref<80x128xi32, #tpu.memory_space<vmem>> -> memref<1x128xi32, #tpu.memory_space<vmem>>
    %dma_wait3A_114 = tpu.memref_squeeze %dma_wait3A_113 : memref<1x128xi32, #tpu.memory_space<vmem>> -> memref<128xi32, #tpu.memory_space<vmem>>
    %dma_wait3A_115 = arith.constant 0 : i32
    %dma_wait3A_116 = arith.constant 0 : i32
    %dma_wait3A_117 = tpu.memref_slice %arg8[%dma_wait3A_115, %dma_wait3A_116] : memref<10240x32xf32, #tpu.memory_space<vmem_shared>> -> memref<10240x32xf32, #tpu.memory_space<vmem_shared>>
    tpu.wait_indirect_dma semaphore(%arg23 : memref<!tpu.dma_semaphore, #tpu.memory_space<semaphore_mem>>) src(%arg15 : memref<128x32xf32, #tpu.memory_space<vmem>>) dst(%dma_wait3A_117 : memref<10240x32xf32, #tpu.memory_space<vmem_shared>>)
    %barrier3A_118 = arith.constant 0 : index
    tpu.barrier barrier_id(%barrier3A_118)
    "tpu.region"() ({
      %run_scoped3A = tpu.sem_alloc : memref<!tpu.dma_semaphore, #tpu.memory_space<semaphore_mem>>
      %dma_start3A_119 = arith.constant 0 : i32
      %dma_start3A_120 = tpu.memref_slice %arg8[%mul3A_2, %dma_start3A_119] : memref<10240x32xf32, #tpu.memory_space<vmem_shared>> -> memref<640x32xf32, #tpu.memory_space<vmem_shared>>
      %dma_start3A_121 = arith.constant 0 : i32
      %dma_start3A_122 = tpu.memref_slice %arg8[%mul3A_2, %dma_start3A_121] : memref<10240x32xf32, #tpu.memory_space<vmem_shared>> -> memref<640x32xf32, #tpu.memory_space<vmem_shared>>
      tpu.enqueue_dma source(%dma_start3A_122 : memref<640x32xf32, #tpu.memory_space<vmem_shared>>) target(%arg9 : memref<640x32xf32, #tpu.memory_space<vmem>>) target_semaphore(%run_scoped3A : memref<!tpu.dma_semaphore, #tpu.memory_space<semaphore_mem>>)
      %dma_wait3A_123 = arith.constant 0 : i32
      %dma_wait3A_124 = tpu.memref_slice %arg8[%mul3A_2, %dma_wait3A_123] : memref<10240x32xf32, #tpu.memory_space<vmem_shared>> -> memref<640x32xf32, #tpu.memory_space<vmem_shared>>
      %dma_wait3A_125 = arith.constant 0 : i32
      %dma_wait3A_126 = tpu.memref_slice %arg8[%mul3A_2, %dma_wait3A_125] : memref<10240x32xf32, #tpu.memory_space<vmem_shared>> -> memref<640x32xf32, #tpu.memory_space<vmem_shared>>
      tpu.wait_dma2 semaphore(%run_scoped3A : memref<!tpu.dma_semaphore, #tpu.memory_space<semaphore_mem>>) src(%dma_wait3A_126 : memref<640x32xf32, #tpu.memory_space<vmem_shared>>) dst(%arg9 : memref<640x32xf32, #tpu.memory_space<vmem>>)
      tpu.yield
    }) : () -> ()
    "tpu.region"() ({
      %run_scoped3A = tpu.sem_alloc : memref<!tpu.dma_semaphore, #tpu.memory_space<semaphore_mem>>
      %dma_start3A_119 = arith.constant 0 : i32
      %dma_start3A_120 = tpu.memref_slice %arg6[%arg0, %mul3A_2, %dma_start3A_119] : memref<2x10240x32xf32, #tpu.memory_space<hbm>> -> memref<1x640x32xf32, #tpu.memory_space<hbm>>
      %dma_start3A_121 = tpu.memref_squeeze %dma_start3A_120 : memref<1x640x32xf32, #tpu.memory_space<hbm>> -> memref<640x32xf32, #tpu.memory_space<hbm>>
      %dma_start3A_122 = arith.constant 0 : i32
      %dma_start3A_123 = tpu.memref_slice %arg6[%arg0, %mul3A_2, %dma_start3A_122] : memref<2x10240x32xf32, #tpu.memory_space<hbm>> -> memref<1x640x32xf32, #tpu.memory_space<hbm>>
      %dma_start3A_124 = tpu.memref_squeeze %dma_start3A_123 : memref<1x640x32xf32, #tpu.memory_space<hbm>> -> memref<640x32xf32, #tpu.memory_space<hbm>>
      tpu.enqueue_dma source(%arg9 : memref<640x32xf32, #tpu.memory_space<vmem>>) target(%dma_start3A_124 : memref<640x32xf32, #tpu.memory_space<hbm>>) target_semaphore(%run_scoped3A : memref<!tpu.dma_semaphore, #tpu.memory_space<semaphore_mem>>)
      %dma_wait3A_125 = arith.constant 0 : i32
      %dma_wait3A_126 = tpu.memref_slice %arg6[%arg0, %mul3A_2, %dma_wait3A_125] : memref<2x10240x32xf32, #tpu.memory_space<hbm>> -> memref<1x640x32xf32, #tpu.memory_space<hbm>>
      %dma_wait3A_127 = tpu.memref_squeeze %dma_wait3A_126 : memref<1x640x32xf32, #tpu.memory_space<hbm>> -> memref<640x32xf32, #tpu.memory_space<hbm>>
      %dma_wait3A_128 = arith.constant 0 : i32
      %dma_wait3A_129 = tpu.memref_slice %arg6[%arg0, %mul3A_2, %dma_wait3A_128] : memref<2x10240x32xf32, #tpu.memory_space<hbm>> -> memref<1x640x32xf32, #tpu.memory_space<hbm>>
      %dma_wait3A_130 = tpu.memref_squeeze %dma_wait3A_129 : memref<1x640x32xf32, #tpu.memory_space<hbm>> -> memref<640x32xf32, #tpu.memory_space<hbm>>
      tpu.wait_dma2 semaphore(%run_scoped3A : memref<!tpu.dma_semaphore, #tpu.memory_space<semaphore_mem>>) src(%arg9 : memref<640x32xf32, #tpu.memory_space<vmem>>) dst(%dma_wait3A_130 : memref<640x32xf32, #tpu.memory_space<hbm>>)
      tpu.yield
    }) : () -> ()
    return
  }
}

#map = affine_map<(d0, d1) -> (0, 0)>
#map1 = affine_map<(d0, d1) -> (0, 0, 0)>
module attributes {stable_mosaic.version = 14 : i64} {
  func.func @_sc_layer(%arg0: i32, %arg1: i32, %arg2: memref<10240x32xf32, #tpu.memory_space<hbm>>, %arg3: memref<32x80x128xi32, #tpu.memory_space<hbm>>, %arg4: memref<32x80x128xi32, #tpu.memory_space<hbm>>, %arg5: memref<10240x32xf32, #tpu.memory_space<hbm>>, %arg6: memref<2x10240x32xf32, #tpu.memory_space<hbm>>, %arg7: memref<10240x32xf32, #tpu.memory_space<vmem_shared>>, %arg8: memref<10240x32xf32, #tpu.memory_space<vmem_shared>>, %arg9: memref<640x32xf32, #tpu.memory_space<vmem>>, %arg10: memref<80x128xi32, #tpu.memory_space<vmem>>, %arg11: memref<80x128xi32, #tpu.memory_space<vmem>>, %arg12: memref<128x32xf32, #tpu.memory_space<vmem>>, %arg13: memref<128x32xf32, #tpu.memory_space<vmem>>, %arg14: memref<128x32xf32, #tpu.memory_space<vmem>>, %arg15: memref<128x32xf32, #tpu.memory_space<vmem>>, %arg16: memref<!tpu.dma_semaphore, #tpu.memory_space<semaphore_mem>>, %arg17: memref<!tpu.dma_semaphore, #tpu.memory_space<semaphore_mem>>, %arg18: memref<!tpu.dma_semaphore, #tpu.memory_space<semaphore_mem>>, %arg19: memref<!tpu.dma_semaphore, #tpu.memory_space<semaphore_mem>>, %arg20: memref<!tpu.dma_semaphore, #tpu.memory_space<semaphore_mem>>, %arg21: memref<!tpu.dma_semaphore, #tpu.memory_space<semaphore_mem>>, %arg22: memref<!tpu.dma_semaphore, #tpu.memory_space<semaphore_mem>>, %arg23: memref<!tpu.dma_semaphore, #tpu.memory_space<semaphore_mem>>) attributes {dimension_semantics = [#tpu.dimension_semantics<core_parallel>, #tpu.dimension_semantics<subcore_parallel>], iteration_bounds = array<i64: 2, 16>, scalar_prefetch = 0 : i64, scratch_operands = 17 : i64, tpu.core_type = #tpu.core_type<sc_vector_subcore>, window_params = [{transform_indices = #map}, {transform_indices = #map1}, {transform_indices = #map1}, {transform_indices = #map}, {transform_indices = #map1}]} {
    %mul3A = arith.constant 2 : i32
    %mul3A_0 = arith.muli %arg1, %mul3A : i32
    %add3A = arith.addi %mul3A_0, %arg0 : i32
    %mul3A_1 = arith.constant 640 : i32
    %mul3A_2 = arith.muli %arg1, %mul3A_1 : i32
    "tpu.region"() ({
      %run_scoped3A = tpu.sem_alloc : memref<!tpu.dma_semaphore, #tpu.memory_space<semaphore_mem>>
      %dma_start3A_119 = arith.constant 0 : i32
      %dma_start3A_120 = tpu.memref_slice %arg2[%mul3A_2, %dma_start3A_119] : memref<10240x32xf32, #tpu.memory_space<hbm>> -> memref<640x32xf32, #tpu.memory_space<hbm>>
      %dma_start3A_121 = arith.constant 0 : i32
      %dma_start3A_122 = tpu.memref_slice %arg2[%mul3A_2, %dma_start3A_121] : memref<10240x32xf32, #tpu.memory_space<hbm>> -> memref<640x32xf32, #tpu.memory_space<hbm>>
      tpu.enqueue_dma source(%dma_start3A_122 : memref<640x32xf32, #tpu.memory_space<hbm>>) target(%arg9 : memref<640x32xf32, #tpu.memory_space<vmem>>) target_semaphore(%run_scoped3A : memref<!tpu.dma_semaphore, #tpu.memory_space<semaphore_mem>>)
      %dma_wait3A_123 = arith.constant 0 : i32
      %dma_wait3A_124 = tpu.memref_slice %arg2[%mul3A_2, %dma_wait3A_123] : memref<10240x32xf32, #tpu.memory_space<hbm>> -> memref<640x32xf32, #tpu.memory_space<hbm>>
      %dma_wait3A_125 = arith.constant 0 : i32
      %dma_wait3A_126 = tpu.memref_slice %arg2[%mul3A_2, %dma_wait3A_125] : memref<10240x32xf32, #tpu.memory_space<hbm>> -> memref<640x32xf32, #tpu.memory_space<hbm>>
      tpu.wait_dma2 semaphore(%run_scoped3A : memref<!tpu.dma_semaphore, #tpu.memory_space<semaphore_mem>>) src(%dma_wait3A_126 : memref<640x32xf32, #tpu.memory_space<hbm>>) dst(%arg9 : memref<640x32xf32, #tpu.memory_space<vmem>>)
      tpu.yield
    }) : () -> ()
    "tpu.region"() ({
      %run_scoped3A = tpu.sem_alloc : memref<!tpu.dma_semaphore, #tpu.memory_space<semaphore_mem>>
      %dma_start3A_119 = arith.constant 0 : i32
      %dma_start3A_120 = tpu.memref_slice %arg7[%mul3A_2, %dma_start3A_119] : memref<10240x32xf32, #tpu.memory_space<vmem_shared>> -> memref<640x32xf32, #tpu.memory_space<vmem_shared>>
      %dma_start3A_121 = arith.constant 0 : i32
      %dma_start3A_122 = tpu.memref_slice %arg7[%mul3A_2, %dma_start3A_121] : memref<10240x32xf32, #tpu.memory_space<vmem_shared>> -> memref<640x32xf32, #tpu.memory_space<vmem_shared>>
      tpu.enqueue_dma source(%arg9 : memref<640x32xf32, #tpu.memory_space<vmem>>) target(%dma_start3A_122 : memref<640x32xf32, #tpu.memory_space<vmem_shared>>) target_semaphore(%run_scoped3A : memref<!tpu.dma_semaphore, #tpu.memory_space<semaphore_mem>>)
      %dma_wait3A_123 = arith.constant 0 : i32
      %dma_wait3A_124 = tpu.memref_slice %arg7[%mul3A_2, %dma_wait3A_123] : memref<10240x32xf32, #tpu.memory_space<vmem_shared>> -> memref<640x32xf32, #tpu.memory_space<vmem_shared>>
      %dma_wait3A_125 = arith.constant 0 : i32
      %dma_wait3A_126 = tpu.memref_slice %arg7[%mul3A_2, %dma_wait3A_125] : memref<10240x32xf32, #tpu.memory_space<vmem_shared>> -> memref<640x32xf32, #tpu.memory_space<vmem_shared>>
      tpu.wait_dma2 semaphore(%run_scoped3A : memref<!tpu.dma_semaphore, #tpu.memory_space<semaphore_mem>>) src(%arg9 : memref<640x32xf32, #tpu.memory_space<vmem>>) dst(%dma_wait3A_126 : memref<640x32xf32, #tpu.memory_space<vmem_shared>>)
      tpu.yield
    }) : () -> ()
    "tpu.region"() ({
      %run_scoped3A = tpu.sem_alloc : memref<!tpu.dma_semaphore, #tpu.memory_space<semaphore_mem>>
      %dma_start3A_119 = arith.constant 0 : i32
      %dma_start3A_120 = tpu.memref_slice %arg5[%mul3A_2, %dma_start3A_119] : memref<10240x32xf32, #tpu.memory_space<hbm>> -> memref<640x32xf32, #tpu.memory_space<hbm>>
      %dma_start3A_121 = arith.constant 0 : i32
      %dma_start3A_122 = tpu.memref_slice %arg5[%mul3A_2, %dma_start3A_121] : memref<10240x32xf32, #tpu.memory_space<hbm>> -> memref<640x32xf32, #tpu.memory_space<hbm>>
      tpu.enqueue_dma source(%dma_start3A_122 : memref<640x32xf32, #tpu.memory_space<hbm>>) target(%arg9 : memref<640x32xf32, #tpu.memory_space<vmem>>) target_semaphore(%run_scoped3A : memref<!tpu.dma_semaphore, #tpu.memory_space<semaphore_mem>>)
      %dma_wait3A_123 = arith.constant 0 : i32
      %dma_wait3A_124 = tpu.memref_slice %arg5[%mul3A_2, %dma_wait3A_123] : memref<10240x32xf32, #tpu.memory_space<hbm>> -> memref<640x32xf32, #tpu.memory_space<hbm>>
      %dma_wait3A_125 = arith.constant 0 : i32
      %dma_wait3A_126 = tpu.memref_slice %arg5[%mul3A_2, %dma_wait3A_125] : memref<10240x32xf32, #tpu.memory_space<hbm>> -> memref<640x32xf32, #tpu.memory_space<hbm>>
      tpu.wait_dma2 semaphore(%run_scoped3A : memref<!tpu.dma_semaphore, #tpu.memory_space<semaphore_mem>>) src(%dma_wait3A_126 : memref<640x32xf32, #tpu.memory_space<hbm>>) dst(%arg9 : memref<640x32xf32, #tpu.memory_space<vmem>>)
      tpu.yield
    }) : () -> ()
    "tpu.region"() ({
      %run_scoped3A = tpu.sem_alloc : memref<!tpu.dma_semaphore, #tpu.memory_space<semaphore_mem>>
      %dma_start3A_119 = arith.constant 0 : i32
      %dma_start3A_120 = tpu.memref_slice %arg8[%mul3A_2, %dma_start3A_119] : memref<10240x32xf32, #tpu.memory_space<vmem_shared>> -> memref<640x32xf32, #tpu.memory_space<vmem_shared>>
      %dma_start3A_121 = arith.constant 0 : i32
      %dma_start3A_122 = tpu.memref_slice %arg8[%mul3A_2, %dma_start3A_121] : memref<10240x32xf32, #tpu.memory_space<vmem_shared>> -> memref<640x32xf32, #tpu.memory_space<vmem_shared>>
      tpu.enqueue_dma source(%arg9 : memref<640x32xf32, #tpu.memory_space<vmem>>) target(%dma_start3A_122 : memref<640x32xf32, #tpu.memory_space<vmem_shared>>) target_semaphore(%run_scoped3A : memref<!tpu.dma_semaphore, #tpu.memory_space<semaphore_mem>>)
      %dma_wait3A_123 = arith.constant 0 : i32
      %dma_wait3A_124 = tpu.memref_slice %arg8[%mul3A_2, %dma_wait3A_123] : memref<10240x32xf32, #tpu.memory_space<vmem_shared>> -> memref<640x32xf32, #tpu.memory_space<vmem_shared>>
      %dma_wait3A_125 = arith.constant 0 : i32
      %dma_wait3A_126 = tpu.memref_slice %arg8[%mul3A_2, %dma_wait3A_125] : memref<10240x32xf32, #tpu.memory_space<vmem_shared>> -> memref<640x32xf32, #tpu.memory_space<vmem_shared>>
      tpu.wait_dma2 semaphore(%run_scoped3A : memref<!tpu.dma_semaphore, #tpu.memory_space<semaphore_mem>>) src(%arg9 : memref<640x32xf32, #tpu.memory_space<vmem>>) dst(%dma_wait3A_126 : memref<640x32xf32, #tpu.memory_space<vmem_shared>>)
      tpu.yield
    }) : () -> ()
    "tpu.region"() ({
      %run_scoped3A = tpu.sem_alloc : memref<!tpu.dma_semaphore, #tpu.memory_space<semaphore_mem>>
      %dma_start3A_119 = arith.constant 0 : i32
      %dma_start3A_120 = arith.constant 0 : i32
      %dma_start3A_121 = tpu.memref_slice %arg3[%add3A, %dma_start3A_119, %dma_start3A_120] : memref<32x80x128xi32, #tpu.memory_space<hbm>> -> memref<1x80x128xi32, #tpu.memory_space<hbm>>
      %dma_start3A_122 = tpu.memref_squeeze %dma_start3A_121 : memref<1x80x128xi32, #tpu.memory_space<hbm>> -> memref<80x128xi32, #tpu.memory_space<hbm>>
      %dma_start3A_123 = arith.constant 0 : i32
      %dma_start3A_124 = arith.constant 0 : i32
      %dma_start3A_125 = tpu.memref_slice %arg3[%add3A, %dma_start3A_123, %dma_start3A_124] : memref<32x80x128xi32, #tpu.memory_space<hbm>> -> memref<1x80x128xi32, #tpu.memory_space<hbm>>
      %dma_start3A_126 = tpu.memref_squeeze %dma_start3A_125 : memref<1x80x128xi32, #tpu.memory_space<hbm>> -> memref<80x128xi32, #tpu.memory_space<hbm>>
      tpu.enqueue_dma source(%dma_start3A_126 : memref<80x128xi32, #tpu.memory_space<hbm>>) target(%arg10 : memref<80x128xi32, #tpu.memory_space<vmem>>) target_semaphore(%run_scoped3A : memref<!tpu.dma_semaphore, #tpu.memory_space<semaphore_mem>>)
      %dma_wait3A_127 = arith.constant 0 : i32
      %dma_wait3A_128 = arith.constant 0 : i32
      %dma_wait3A_129 = tpu.memref_slice %arg3[%add3A, %dma_wait3A_127, %dma_wait3A_128] : memref<32x80x128xi32, #tpu.memory_space<hbm>> -> memref<1x80x128xi32, #tpu.memory_space<hbm>>
      %dma_wait3A_130 = tpu.memref_squeeze %dma_wait3A_129 : memref<1x80x128xi32, #tpu.memory_space<hbm>> -> memref<80x128xi32, #tpu.memory_space<hbm>>
      %dma_wait3A_131 = arith.constant 0 : i32
      %dma_wait3A_132 = arith.constant 0 : i32
      %dma_wait3A_133 = tpu.memref_slice %arg3[%add3A, %dma_wait3A_131, %dma_wait3A_132] : memref<32x80x128xi32, #tpu.memory_space<hbm>> -> memref<1x80x128xi32, #tpu.memory_space<hbm>>
      %dma_wait3A_134 = tpu.memref_squeeze %dma_wait3A_133 : memref<1x80x128xi32, #tpu.memory_space<hbm>> -> memref<80x128xi32, #tpu.memory_space<hbm>>
      tpu.wait_dma2 semaphore(%run_scoped3A : memref<!tpu.dma_semaphore, #tpu.memory_space<semaphore_mem>>) src(%dma_wait3A_134 : memref<80x128xi32, #tpu.memory_space<hbm>>) dst(%arg10 : memref<80x128xi32, #tpu.memory_space<vmem>>)
      tpu.yield
    }) : () -> ()
    "tpu.region"() ({
      %run_scoped3A = tpu.sem_alloc : memref<!tpu.dma_semaphore, #tpu.memory_space<semaphore_mem>>
      %dma_start3A_119 = arith.constant 0 : i32
      %dma_start3A_120 = arith.constant 0 : i32
      %dma_start3A_121 = tpu.memref_slice %arg4[%add3A, %dma_start3A_119, %dma_start3A_120] : memref<32x80x128xi32, #tpu.memory_space<hbm>> -> memref<1x80x128xi32, #tpu.memory_space<hbm>>
      %dma_start3A_122 = tpu.memref_squeeze %dma_start3A_121 : memref<1x80x128xi32, #tpu.memory_space<hbm>> -> memref<80x128xi32, #tpu.memory_space<hbm>>
      %dma_start3A_123 = arith.constant 0 : i32
      %dma_start3A_124 = arith.constant 0 : i32
      %dma_start3A_125 = tpu.memref_slice %arg4[%add3A, %dma_start3A_123, %dma_start3A_124] : memref<32x80x128xi32, #tpu.memory_space<hbm>> -> memref<1x80x128xi32, #tpu.memory_space<hbm>>
      %dma_start3A_126 = tpu.memref_squeeze %dma_start3A_125 : memref<1x80x128xi32, #tpu.memory_space<hbm>> -> memref<80x128xi32, #tpu.memory_space<hbm>>
      tpu.enqueue_dma source(%dma_start3A_126 : memref<80x128xi32, #tpu.memory_space<hbm>>) target(%arg11 : memref<80x128xi32, #tpu.memory_space<vmem>>) target_semaphore(%run_scoped3A : memref<!tpu.dma_semaphore, #tpu.memory_space<semaphore_mem>>)
      %dma_wait3A_127 = arith.constant 0 : i32
      %dma_wait3A_128 = arith.constant 0 : i32
      %dma_wait3A_129 = tpu.memref_slice %arg4[%add3A, %dma_wait3A_127, %dma_wait3A_128] : memref<32x80x128xi32, #tpu.memory_space<hbm>> -> memref<1x80x128xi32, #tpu.memory_space<hbm>>
      %dma_wait3A_130 = tpu.memref_squeeze %dma_wait3A_129 : memref<1x80x128xi32, #tpu.memory_space<hbm>> -> memref<80x128xi32, #tpu.memory_space<hbm>>
      %dma_wait3A_131 = arith.constant 0 : i32
      %dma_wait3A_132 = arith.constant 0 : i32
      %dma_wait3A_133 = tpu.memref_slice %arg4[%add3A, %dma_wait3A_131, %dma_wait3A_132] : memref<32x80x128xi32, #tpu.memory_space<hbm>> -> memref<1x80x128xi32, #tpu.memory_space<hbm>>
      %dma_wait3A_134 = tpu.memref_squeeze %dma_wait3A_133 : memref<1x80x128xi32, #tpu.memory_space<hbm>> -> memref<80x128xi32, #tpu.memory_space<hbm>>
      tpu.wait_dma2 semaphore(%run_scoped3A : memref<!tpu.dma_semaphore, #tpu.memory_space<semaphore_mem>>) src(%dma_wait3A_134 : memref<80x128xi32, #tpu.memory_space<hbm>>) dst(%arg11 : memref<80x128xi32, #tpu.memory_space<vmem>>)
      tpu.yield
    }) : () -> ()
    %barrier3A = arith.constant 0 : index
    tpu.barrier barrier_id(%barrier3A)
    %dma_start3A = arith.constant 0 : i32
    %dma_start3A_3 = arith.constant 0 : i32
    %dma_start3A_4 = tpu.memref_slice %arg10[%dma_start3A, %dma_start3A_3] : memref<80x128xi32, #tpu.memory_space<vmem>> -> memref<1x128xi32, #tpu.memory_space<vmem>>
    %dma_start3A_5 = tpu.memref_squeeze %dma_start3A_4 : memref<1x128xi32, #tpu.memory_space<vmem>> -> memref<128xi32, #tpu.memory_space<vmem>>
    %dma_start3A_6 = arith.constant 0 : i32
    %dma_start3A_7 = arith.constant 0 : i32
    %dma_start3A_8 = tpu.memref_slice %arg7[%dma_start3A_6, %dma_start3A_7] : memref<10240x32xf32, #tpu.memory_space<vmem_shared>> -> memref<10240x32xf32, #tpu.memory_space<vmem_shared>>
    tpu.enqueue_indirect_dma source(%dma_start3A_8 : memref<10240x32xf32, #tpu.memory_space<vmem_shared>>) target(%arg12 : memref<128x32xf32, #tpu.memory_space<vmem>>) offsets(%dma_start3A_5 : memref<128xi32, #tpu.memory_space<vmem>>) semaphore(%arg16 : memref<!tpu.dma_semaphore, #tpu.memory_space<semaphore_mem>>)
    %dma_start3A_9 = arith.constant 1 : i32
    %dma_start3A_10 = arith.constant 0 : i32
    %dma_start3A_11 = tpu.memref_slice %arg10[%dma_start3A_9, %dma_start3A_10] : memref<80x128xi32, #tpu.memory_space<vmem>> -> memref<1x128xi32, #tpu.memory_space<vmem>>
    %dma_start3A_12 = tpu.memref_squeeze %dma_start3A_11 : memref<1x128xi32, #tpu.memory_space<vmem>> -> memref<128xi32, #tpu.memory_space<vmem>>
    %dma_start3A_13 = arith.constant 0 : i32
    %dma_start3A_14 = arith.constant 0 : i32
    %dma_start3A_15 = tpu.memref_slice %arg7[%dma_start3A_13, %dma_start3A_14] : memref<10240x32xf32, #tpu.memory_space<vmem_shared>> -> memref<10240x32xf32, #tpu.memory_space<vmem_shared>>
    tpu.enqueue_indirect_dma source(%dma_start3A_15 : memref<10240x32xf32, #tpu.memory_space<vmem_shared>>) target(%arg13 : memref<128x32xf32, #tpu.memory_space<vmem>>) offsets(%dma_start3A_12 : memref<128xi32, #tpu.memory_space<vmem>>) semaphore(%arg17 : memref<!tpu.dma_semaphore, #tpu.memory_space<semaphore_mem>>)
    %dma_wait3A = arith.constant 0 : i32
    %dma_wait3A_16 = arith.constant 0 : i32
    %dma_wait3A_17 = tpu.memref_slice %arg10[%dma_wait3A, %dma_wait3A_16] : memref<80x128xi32, #tpu.memory_space<vmem>> -> memref<1x128xi32, #tpu.memory_space<vmem>>
    %dma_wait3A_18 = tpu.memref_squeeze %dma_wait3A_17 : memref<1x128xi32, #tpu.memory_space<vmem>> -> memref<128xi32, #tpu.memory_space<vmem>>
    %dma_wait3A_19 = arith.constant 0 : i32
    %dma_wait3A_20 = arith.constant 0 : i32
    %dma_wait3A_21 = tpu.memref_slice %arg7[%dma_wait3A_19, %dma_wait3A_20] : memref<10240x32xf32, #tpu.memory_space<vmem_shared>> -> memref<10240x32xf32, #tpu.memory_space<vmem_shared>>
    tpu.wait_indirect_dma semaphore(%arg16 : memref<!tpu.dma_semaphore, #tpu.memory_space<semaphore_mem>>) src(%dma_wait3A_21 : memref<10240x32xf32, #tpu.memory_space<vmem_shared>>) dst(%arg12 : memref<128x32xf32, #tpu.memory_space<vmem>>)
    %dma_start3A_22 = arith.constant 0 : i32
    %dma_start3A_23 = arith.constant 0 : i32
    %dma_start3A_24 = tpu.memref_slice %arg11[%dma_start3A_22, %dma_start3A_23] : memref<80x128xi32, #tpu.memory_space<vmem>> -> memref<1x128xi32, #tpu.memory_space<vmem>>
    %dma_start3A_25 = tpu.memref_squeeze %dma_start3A_24 : memref<1x128xi32, #tpu.memory_space<vmem>> -> memref<128xi32, #tpu.memory_space<vmem>>
    %dma_start3A_26 = arith.constant 0 : i32
    %dma_start3A_27 = arith.constant 0 : i32
    %dma_start3A_28 = tpu.memref_slice %arg8[%dma_start3A_26, %dma_start3A_27] : memref<10240x32xf32, #tpu.memory_space<vmem_shared>> -> memref<10240x32xf32, #tpu.memory_space<vmem_shared>>
    tpu.enqueue_indirect_dma source(%arg12 : memref<128x32xf32, #tpu.memory_space<vmem>>) target(%dma_start3A_28 : memref<10240x32xf32, #tpu.memory_space<vmem_shared>>) offsets(%dma_start3A_25 : memref<128xi32, #tpu.memory_space<vmem>>) semaphore(%arg20 : memref<!tpu.dma_semaphore, #tpu.memory_space<semaphore_mem>>) {add = true}
    %dma_start3A_29 = arith.constant 2 : i32
    %dma_start3A_30 = arith.constant 0 : i32
    %dma_start3A_31 = tpu.memref_slice %arg10[%dma_start3A_29, %dma_start3A_30] : memref<80x128xi32, #tpu.memory_space<vmem>> -> memref<1x128xi32, #tpu.memory_space<vmem>>
    %dma_start3A_32 = tpu.memref_squeeze %dma_start3A_31 : memref<1x128xi32, #tpu.memory_space<vmem>> -> memref<128xi32, #tpu.memory_space<vmem>>
    %dma_start3A_33 = arith.constant 0 : i32
    %dma_start3A_34 = arith.constant 0 : i32
    %dma_start3A_35 = tpu.memref_slice %arg7[%dma_start3A_33, %dma_start3A_34] : memref<10240x32xf32, #tpu.memory_space<vmem_shared>> -> memref<10240x32xf32, #tpu.memory_space<vmem_shared>>
    tpu.enqueue_indirect_dma source(%dma_start3A_35 : memref<10240x32xf32, #tpu.memory_space<vmem_shared>>) target(%arg14 : memref<128x32xf32, #tpu.memory_space<vmem>>) offsets(%dma_start3A_32 : memref<128xi32, #tpu.memory_space<vmem>>) semaphore(%arg18 : memref<!tpu.dma_semaphore, #tpu.memory_space<semaphore_mem>>)
    %dma_wait3A_36 = arith.constant 1 : i32
    %dma_wait3A_37 = arith.constant 0 : i32
    %dma_wait3A_38 = tpu.memref_slice %arg10[%dma_wait3A_36, %dma_wait3A_37] : memref<80x128xi32, #tpu.memory_space<vmem>> -> memref<1x128xi32, #tpu.memory_space<vmem>>
    %dma_wait3A_39 = tpu.memref_squeeze %dma_wait3A_38 : memref<1x128xi32, #tpu.memory_space<vmem>> -> memref<128xi32, #tpu.memory_space<vmem>>
    %dma_wait3A_40 = arith.constant 0 : i32
    %dma_wait3A_41 = arith.constant 0 : i32
    %dma_wait3A_42 = tpu.memref_slice %arg7[%dma_wait3A_40, %dma_wait3A_41] : memref<10240x32xf32, #tpu.memory_space<vmem_shared>> -> memref<10240x32xf32, #tpu.memory_space<vmem_shared>>
    tpu.wait_indirect_dma semaphore(%arg17 : memref<!tpu.dma_semaphore, #tpu.memory_space<semaphore_mem>>) src(%dma_wait3A_42 : memref<10240x32xf32, #tpu.memory_space<vmem_shared>>) dst(%arg13 : memref<128x32xf32, #tpu.memory_space<vmem>>)
    %dma_start3A_43 = arith.constant 1 : i32
    %dma_start3A_44 = arith.constant 0 : i32
    %dma_start3A_45 = tpu.memref_slice %arg11[%dma_start3A_43, %dma_start3A_44] : memref<80x128xi32, #tpu.memory_space<vmem>> -> memref<1x128xi32, #tpu.memory_space<vmem>>
    %dma_start3A_46 = tpu.memref_squeeze %dma_start3A_45 : memref<1x128xi32, #tpu.memory_space<vmem>> -> memref<128xi32, #tpu.memory_space<vmem>>
    %dma_start3A_47 = arith.constant 0 : i32
    %dma_start3A_48 = arith.constant 0 : i32
    %dma_start3A_49 = tpu.memref_slice %arg8[%dma_start3A_47, %dma_start3A_48] : memref<10240x32xf32, #tpu.memory_space<vmem_shared>> -> memref<10240x32xf32, #tpu.memory_space<vmem_shared>>
    tpu.enqueue_indirect_dma source(%arg13 : memref<128x32xf32, #tpu.memory_space<vmem>>) target(%dma_start3A_49 : memref<10240x32xf32, #tpu.memory_space<vmem_shared>>) offsets(%dma_start3A_46 : memref<128xi32, #tpu.memory_space<vmem>>) semaphore(%arg21 : memref<!tpu.dma_semaphore, #tpu.memory_space<semaphore_mem>>) {add = true}
    %dma_start3A_50 = arith.constant 3 : i32
    %dma_start3A_51 = arith.constant 0 : i32
    %dma_start3A_52 = tpu.memref_slice %arg10[%dma_start3A_50, %dma_start3A_51] : memref<80x128xi32, #tpu.memory_space<vmem>> -> memref<1x128xi32, #tpu.memory_space<vmem>>
    %dma_start3A_53 = tpu.memref_squeeze %dma_start3A_52 : memref<1x128xi32, #tpu.memory_space<vmem>> -> memref<128xi32, #tpu.memory_space<vmem>>
    %dma_start3A_54 = arith.constant 0 : i32
    %dma_start3A_55 = arith.constant 0 : i32
    %dma_start3A_56 = tpu.memref_slice %arg7[%dma_start3A_54, %dma_start3A_55] : memref<10240x32xf32, #tpu.memory_space<vmem_shared>> -> memref<10240x32xf32, #tpu.memory_space<vmem_shared>>
    tpu.enqueue_indirect_dma source(%dma_start3A_56 : memref<10240x32xf32, #tpu.memory_space<vmem_shared>>) target(%arg15 : memref<128x32xf32, #tpu.memory_space<vmem>>) offsets(%dma_start3A_53 : memref<128xi32, #tpu.memory_space<vmem>>) semaphore(%arg19 : memref<!tpu.dma_semaphore, #tpu.memory_space<semaphore_mem>>)
    %scan3A = arith.constant 0 : i32
    %scan3A_57 = arith.constant 0 : i32
    %scan3A_58 = arith.constant 19 : i32
    %scan3A_59 = arith.addi %scan3A_57, %scan3A_58 : i32
    %scan3A_60 = arith.constant 1 : i32
    scf.for %scan3A_119 = %scan3A_57 to %scan3A_59 step %scan3A_60  : i32 {
      %mul3A_120 = arith.constant 4 : i32
      %mul3A_121 = arith.muli %mul3A_120, %scan3A_119 : i32
      %add3A_122 = arith.constant 2 : i32
      %add3A_123 = arith.addi %add3A_122, %mul3A_121 : i32
      %add3A_124 = arith.constant 0 : i32
      %add3A_125 = arith.addi %add3A_123, %add3A_124 : i32
      %dma_wait3A_126 = arith.constant 0 : i32
      %dma_wait3A_127 = tpu.memref_slice %arg10[%add3A_125, %dma_wait3A_126] : memref<80x128xi32, #tpu.memory_space<vmem>> -> memref<1x128xi32, #tpu.memory_space<vmem>>
      %dma_wait3A_128 = tpu.memref_squeeze %dma_wait3A_127 : memref<1x128xi32, #tpu.memory_space<vmem>> -> memref<128xi32, #tpu.memory_space<vmem>>
      %dma_wait3A_129 = arith.constant 0 : i32
      %dma_wait3A_130 = arith.constant 0 : i32
      %dma_wait3A_131 = tpu.memref_slice %arg7[%dma_wait3A_129, %dma_wait3A_130] : memref<10240x32xf32, #tpu.memory_space<vmem_shared>> -> memref<10240x32xf32, #tpu.memory_space<vmem_shared>>
      tpu.wait_indirect_dma semaphore(%arg18 : memref<!tpu.dma_semaphore, #tpu.memory_space<semaphore_mem>>) src(%dma_wait3A_131 : memref<10240x32xf32, #tpu.memory_space<vmem_shared>>) dst(%arg14 : memref<128x32xf32, #tpu.memory_space<vmem>>)
      %dma_start3A_132 = arith.constant 0 : i32
      %dma_start3A_133 = tpu.memref_slice %arg11[%add3A_125, %dma_start3A_132] : memref<80x128xi32, #tpu.memory_space<vmem>> -> memref<1x128xi32, #tpu.memory_space<vmem>>
      %dma_start3A_134 = tpu.memref_squeeze %dma_start3A_133 : memref<1x128xi32, #tpu.memory_space<vmem>> -> memref<128xi32, #tpu.memory_space<vmem>>
      %dma_start3A_135 = arith.constant 0 : i32
      %dma_start3A_136 = arith.constant 0 : i32
      %dma_start3A_137 = tpu.memref_slice %arg8[%dma_start3A_135, %dma_start3A_136] : memref<10240x32xf32, #tpu.memory_space<vmem_shared>> -> memref<10240x32xf32, #tpu.memory_space<vmem_shared>>
      tpu.enqueue_indirect_dma source(%arg14 : memref<128x32xf32, #tpu.memory_space<vmem>>) target(%dma_start3A_137 : memref<10240x32xf32, #tpu.memory_space<vmem_shared>>) offsets(%dma_start3A_134 : memref<128xi32, #tpu.memory_space<vmem>>) semaphore(%arg22 : memref<!tpu.dma_semaphore, #tpu.memory_space<semaphore_mem>>) {add = true}
      %sub3A = arith.constant 2 : i32
      %sub3A_138 = arith.subi %add3A_125, %sub3A : i32
      %dma_wait3A_139 = arith.constant 0 : i32
      %dma_wait3A_140 = tpu.memref_slice %arg11[%sub3A_138, %dma_wait3A_139] : memref<80x128xi32, #tpu.memory_space<vmem>> -> memref<1x128xi32, #tpu.memory_space<vmem>>
      %dma_wait3A_141 = tpu.memref_squeeze %dma_wait3A_140 : memref<1x128xi32, #tpu.memory_space<vmem>> -> memref<128xi32, #tpu.memory_space<vmem>>
      %dma_wait3A_142 = arith.constant 0 : i32
      %dma_wait3A_143 = arith.constant 0 : i32
      %dma_wait3A_144 = tpu.memref_slice %arg8[%dma_wait3A_142, %dma_wait3A_143] : memref<10240x32xf32, #tpu.memory_space<vmem_shared>> -> memref<10240x32xf32, #tpu.memory_space<vmem_shared>>
      tpu.wait_indirect_dma semaphore(%arg20 : memref<!tpu.dma_semaphore, #tpu.memory_space<semaphore_mem>>) src(%arg12 : memref<128x32xf32, #tpu.memory_space<vmem>>) dst(%dma_wait3A_144 : memref<10240x32xf32, #tpu.memory_space<vmem_shared>>)
      %add3A_145 = arith.constant 2 : i32
      %add3A_146 = arith.addi %add3A_125, %add3A_145 : i32
      %dma_start3A_147 = arith.constant 0 : i32
      %dma_start3A_148 = tpu.memref_slice %arg10[%add3A_146, %dma_start3A_147] : memref<80x128xi32, #tpu.memory_space<vmem>> -> memref<1x128xi32, #tpu.memory_space<vmem>>
      %dma_start3A_149 = tpu.memref_squeeze %dma_start3A_148 : memref<1x128xi32, #tpu.memory_space<vmem>> -> memref<128xi32, #tpu.memory_space<vmem>>
      %dma_start3A_150 = arith.constant 0 : i32
      %dma_start3A_151 = arith.constant 0 : i32
      %dma_start3A_152 = tpu.memref_slice %arg7[%dma_start3A_150, %dma_start3A_151] : memref<10240x32xf32, #tpu.memory_space<vmem_shared>> -> memref<10240x32xf32, #tpu.memory_space<vmem_shared>>
      tpu.enqueue_indirect_dma source(%dma_start3A_152 : memref<10240x32xf32, #tpu.memory_space<vmem_shared>>) target(%arg12 : memref<128x32xf32, #tpu.memory_space<vmem>>) offsets(%dma_start3A_149 : memref<128xi32, #tpu.memory_space<vmem>>) semaphore(%arg16 : memref<!tpu.dma_semaphore, #tpu.memory_space<semaphore_mem>>)
      %add3A_153 = arith.constant 1 : i32
      %add3A_154 = arith.addi %add3A_123, %add3A_153 : i32
      %dma_wait3A_155 = arith.constant 0 : i32
      %dma_wait3A_156 = tpu.memref_slice %arg10[%add3A_154, %dma_wait3A_155] : memref<80x128xi32, #tpu.memory_space<vmem>> -> memref<1x128xi32, #tpu.memory_space<vmem>>
      %dma_wait3A_157 = tpu.memref_squeeze %dma_wait3A_156 : memref<1x128xi32, #tpu.memory_space<vmem>> -> memref<128xi32, #tpu.memory_space<vmem>>
      %dma_wait3A_158 = arith.constant 0 : i32
      %dma_wait3A_159 = arith.constant 0 : i32
      %dma_wait3A_160 = tpu.memref_slice %arg7[%dma_wait3A_158, %dma_wait3A_159] : memref<10240x32xf32, #tpu.memory_space<vmem_shared>> -> memref<10240x32xf32, #tpu.memory_space<vmem_shared>>
      tpu.wait_indirect_dma semaphore(%arg19 : memref<!tpu.dma_semaphore, #tpu.memory_space<semaphore_mem>>) src(%dma_wait3A_160 : memref<10240x32xf32, #tpu.memory_space<vmem_shared>>) dst(%arg15 : memref<128x32xf32, #tpu.memory_space<vmem>>)
      %dma_start3A_161 = arith.constant 0 : i32
      %dma_start3A_162 = tpu.memref_slice %arg11[%add3A_154, %dma_start3A_161] : memref<80x128xi32, #tpu.memory_space<vmem>> -> memref<1x128xi32, #tpu.memory_space<vmem>>
      %dma_start3A_163 = tpu.memref_squeeze %dma_start3A_162 : memref<1x128xi32, #tpu.memory_space<vmem>> -> memref<128xi32, #tpu.memory_space<vmem>>
      %dma_start3A_164 = arith.constant 0 : i32
      %dma_start3A_165 = arith.constant 0 : i32
      %dma_start3A_166 = tpu.memref_slice %arg8[%dma_start3A_164, %dma_start3A_165] : memref<10240x32xf32, #tpu.memory_space<vmem_shared>> -> memref<10240x32xf32, #tpu.memory_space<vmem_shared>>
      tpu.enqueue_indirect_dma source(%arg15 : memref<128x32xf32, #tpu.memory_space<vmem>>) target(%dma_start3A_166 : memref<10240x32xf32, #tpu.memory_space<vmem_shared>>) offsets(%dma_start3A_163 : memref<128xi32, #tpu.memory_space<vmem>>) semaphore(%arg23 : memref<!tpu.dma_semaphore, #tpu.memory_space<semaphore_mem>>) {add = true}
      %sub3A_167 = arith.constant 2 : i32
      %sub3A_168 = arith.subi %add3A_154, %sub3A_167 : i32
      %dma_wait3A_169 = arith.constant 0 : i32
      %dma_wait3A_170 = tpu.memref_slice %arg11[%sub3A_168, %dma_wait3A_169] : memref<80x128xi32, #tpu.memory_space<vmem>> -> memref<1x128xi32, #tpu.memory_space<vmem>>
      %dma_wait3A_171 = tpu.memref_squeeze %dma_wait3A_170 : memref<1x128xi32, #tpu.memory_space<vmem>> -> memref<128xi32, #tpu.memory_space<vmem>>
      %dma_wait3A_172 = arith.constant 0 : i32
      %dma_wait3A_173 = arith.constant 0 : i32
      %dma_wait3A_174 = tpu.memref_slice %arg8[%dma_wait3A_172, %dma_wait3A_173] : memref<10240x32xf32, #tpu.memory_space<vmem_shared>> -> memref<10240x32xf32, #tpu.memory_space<vmem_shared>>
      tpu.wait_indirect_dma semaphore(%arg21 : memref<!tpu.dma_semaphore, #tpu.memory_space<semaphore_mem>>) src(%arg13 : memref<128x32xf32, #tpu.memory_space<vmem>>) dst(%dma_wait3A_174 : memref<10240x32xf32, #tpu.memory_space<vmem_shared>>)
      %add3A_175 = arith.constant 2 : i32
      %add3A_176 = arith.addi %add3A_154, %add3A_175 : i32
      %dma_start3A_177 = arith.constant 0 : i32
      %dma_start3A_178 = tpu.memref_slice %arg10[%add3A_176, %dma_start3A_177] : memref<80x128xi32, #tpu.memory_space<vmem>> -> memref<1x128xi32, #tpu.memory_space<vmem>>
      %dma_start3A_179 = tpu.memref_squeeze %dma_start3A_178 : memref<1x128xi32, #tpu.memory_space<vmem>> -> memref<128xi32, #tpu.memory_space<vmem>>
      %dma_start3A_180 = arith.constant 0 : i32
      %dma_start3A_181 = arith.constant 0 : i32
      %dma_start3A_182 = tpu.memref_slice %arg7[%dma_start3A_180, %dma_start3A_181] : memref<10240x32xf32, #tpu.memory_space<vmem_shared>> -> memref<10240x32xf32, #tpu.memory_space<vmem_shared>>
      tpu.enqueue_indirect_dma source(%dma_start3A_182 : memref<10240x32xf32, #tpu.memory_space<vmem_shared>>) target(%arg13 : memref<128x32xf32, #tpu.memory_space<vmem>>) offsets(%dma_start3A_179 : memref<128xi32, #tpu.memory_space<vmem>>) semaphore(%arg17 : memref<!tpu.dma_semaphore, #tpu.memory_space<semaphore_mem>>)
      %add3A_183 = arith.constant 2 : i32
      %add3A_184 = arith.addi %add3A_123, %add3A_183 : i32
      %dma_wait3A_185 = arith.constant 0 : i32
      %dma_wait3A_186 = tpu.memref_slice %arg10[%add3A_184, %dma_wait3A_185] : memref<80x128xi32, #tpu.memory_space<vmem>> -> memref<1x128xi32, #tpu.memory_space<vmem>>
      %dma_wait3A_187 = tpu.memref_squeeze %dma_wait3A_186 : memref<1x128xi32, #tpu.memory_space<vmem>> -> memref<128xi32, #tpu.memory_space<vmem>>
      %dma_wait3A_188 = arith.constant 0 : i32
      %dma_wait3A_189 = arith.constant 0 : i32
      %dma_wait3A_190 = tpu.memref_slice %arg7[%dma_wait3A_188, %dma_wait3A_189] : memref<10240x32xf32, #tpu.memory_space<vmem_shared>> -> memref<10240x32xf32, #tpu.memory_space<vmem_shared>>
      tpu.wait_indirect_dma semaphore(%arg16 : memref<!tpu.dma_semaphore, #tpu.memory_space<semaphore_mem>>) src(%dma_wait3A_190 : memref<10240x32xf32, #tpu.memory_space<vmem_shared>>) dst(%arg12 : memref<128x32xf32, #tpu.memory_space<vmem>>)
      %dma_start3A_191 = arith.constant 0 : i32
      %dma_start3A_192 = tpu.memref_slice %arg11[%add3A_184, %dma_start3A_191] : memref<80x128xi32, #tpu.memory_space<vmem>> -> memref<1x128xi32, #tpu.memory_space<vmem>>
      %dma_start3A_193 = tpu.memref_squeeze %dma_start3A_192 : memref<1x128xi32, #tpu.memory_space<vmem>> -> memref<128xi32, #tpu.memory_space<vmem>>
      %dma_start3A_194 = arith.constant 0 : i32
      %dma_start3A_195 = arith.constant 0 : i32
      %dma_start3A_196 = tpu.memref_slice %arg8[%dma_start3A_194, %dma_start3A_195] : memref<10240x32xf32, #tpu.memory_space<vmem_shared>> -> memref<10240x32xf32, #tpu.memory_space<vmem_shared>>
      tpu.enqueue_indirect_dma source(%arg12 : memref<128x32xf32, #tpu.memory_space<vmem>>) target(%dma_start3A_196 : memref<10240x32xf32, #tpu.memory_space<vmem_shared>>) offsets(%dma_start3A_193 : memref<128xi32, #tpu.memory_space<vmem>>) semaphore(%arg20 : memref<!tpu.dma_semaphore, #tpu.memory_space<semaphore_mem>>) {add = true}
      %sub3A_197 = arith.constant 2 : i32
      %sub3A_198 = arith.subi %add3A_184, %sub3A_197 : i32
      %dma_wait3A_199 = arith.constant 0 : i32
      %dma_wait3A_200 = tpu.memref_slice %arg11[%sub3A_198, %dma_wait3A_199] : memref<80x128xi32, #tpu.memory_space<vmem>> -> memref<1x128xi32, #tpu.memory_space<vmem>>
      %dma_wait3A_201 = tpu.memref_squeeze %dma_wait3A_200 : memref<1x128xi32, #tpu.memory_space<vmem>> -> memref<128xi32, #tpu.memory_space<vmem>>
      %dma_wait3A_202 = arith.constant 0 : i32
      %dma_wait3A_203 = arith.constant 0 : i32
      %dma_wait3A_204 = tpu.memref_slice %arg8[%dma_wait3A_202, %dma_wait3A_203] : memref<10240x32xf32, #tpu.memory_space<vmem_shared>> -> memref<10240x32xf32, #tpu.memory_space<vmem_shared>>
      tpu.wait_indirect_dma semaphore(%arg22 : memref<!tpu.dma_semaphore, #tpu.memory_space<semaphore_mem>>) src(%arg14 : memref<128x32xf32, #tpu.memory_space<vmem>>) dst(%dma_wait3A_204 : memref<10240x32xf32, #tpu.memory_space<vmem_shared>>)
      %add3A_205 = arith.constant 2 : i32
      %add3A_206 = arith.addi %add3A_184, %add3A_205 : i32
      %dma_start3A_207 = arith.constant 0 : i32
      %dma_start3A_208 = tpu.memref_slice %arg10[%add3A_206, %dma_start3A_207] : memref<80x128xi32, #tpu.memory_space<vmem>> -> memref<1x128xi32, #tpu.memory_space<vmem>>
      %dma_start3A_209 = tpu.memref_squeeze %dma_start3A_208 : memref<1x128xi32, #tpu.memory_space<vmem>> -> memref<128xi32, #tpu.memory_space<vmem>>
      %dma_start3A_210 = arith.constant 0 : i32
      %dma_start3A_211 = arith.constant 0 : i32
      %dma_start3A_212 = tpu.memref_slice %arg7[%dma_start3A_210, %dma_start3A_211] : memref<10240x32xf32, #tpu.memory_space<vmem_shared>> -> memref<10240x32xf32, #tpu.memory_space<vmem_shared>>
      tpu.enqueue_indirect_dma source(%dma_start3A_212 : memref<10240x32xf32, #tpu.memory_space<vmem_shared>>) target(%arg14 : memref<128x32xf32, #tpu.memory_space<vmem>>) offsets(%dma_start3A_209 : memref<128xi32, #tpu.memory_space<vmem>>) semaphore(%arg18 : memref<!tpu.dma_semaphore, #tpu.memory_space<semaphore_mem>>)
      %add3A_213 = arith.constant 3 : i32
      %add3A_214 = arith.addi %add3A_123, %add3A_213 : i32
      %dma_wait3A_215 = arith.constant 0 : i32
      %dma_wait3A_216 = tpu.memref_slice %arg10[%add3A_214, %dma_wait3A_215] : memref<80x128xi32, #tpu.memory_space<vmem>> -> memref<1x128xi32, #tpu.memory_space<vmem>>
      %dma_wait3A_217 = tpu.memref_squeeze %dma_wait3A_216 : memref<1x128xi32, #tpu.memory_space<vmem>> -> memref<128xi32, #tpu.memory_space<vmem>>
      %dma_wait3A_218 = arith.constant 0 : i32
      %dma_wait3A_219 = arith.constant 0 : i32
      %dma_wait3A_220 = tpu.memref_slice %arg7[%dma_wait3A_218, %dma_wait3A_219] : memref<10240x32xf32, #tpu.memory_space<vmem_shared>> -> memref<10240x32xf32, #tpu.memory_space<vmem_shared>>
      tpu.wait_indirect_dma semaphore(%arg17 : memref<!tpu.dma_semaphore, #tpu.memory_space<semaphore_mem>>) src(%dma_wait3A_220 : memref<10240x32xf32, #tpu.memory_space<vmem_shared>>) dst(%arg13 : memref<128x32xf32, #tpu.memory_space<vmem>>)
      %dma_start3A_221 = arith.constant 0 : i32
      %dma_start3A_222 = tpu.memref_slice %arg11[%add3A_214, %dma_start3A_221] : memref<80x128xi32, #tpu.memory_space<vmem>> -> memref<1x128xi32, #tpu.memory_space<vmem>>
      %dma_start3A_223 = tpu.memref_squeeze %dma_start3A_222 : memref<1x128xi32, #tpu.memory_space<vmem>> -> memref<128xi32, #tpu.memory_space<vmem>>
      %dma_start3A_224 = arith.constant 0 : i32
      %dma_start3A_225 = arith.constant 0 : i32
      %dma_start3A_226 = tpu.memref_slice %arg8[%dma_start3A_224, %dma_start3A_225] : memref<10240x32xf32, #tpu.memory_space<vmem_shared>> -> memref<10240x32xf32, #tpu.memory_space<vmem_shared>>
      tpu.enqueue_indirect_dma source(%arg13 : memref<128x32xf32, #tpu.memory_space<vmem>>) target(%dma_start3A_226 : memref<10240x32xf32, #tpu.memory_space<vmem_shared>>) offsets(%dma_start3A_223 : memref<128xi32, #tpu.memory_space<vmem>>) semaphore(%arg21 : memref<!tpu.dma_semaphore, #tpu.memory_space<semaphore_mem>>) {add = true}
      %sub3A_227 = arith.constant 2 : i32
      %sub3A_228 = arith.subi %add3A_214, %sub3A_227 : i32
      %dma_wait3A_229 = arith.constant 0 : i32
      %dma_wait3A_230 = tpu.memref_slice %arg11[%sub3A_228, %dma_wait3A_229] : memref<80x128xi32, #tpu.memory_space<vmem>> -> memref<1x128xi32, #tpu.memory_space<vmem>>
      %dma_wait3A_231 = tpu.memref_squeeze %dma_wait3A_230 : memref<1x128xi32, #tpu.memory_space<vmem>> -> memref<128xi32, #tpu.memory_space<vmem>>
      %dma_wait3A_232 = arith.constant 0 : i32
      %dma_wait3A_233 = arith.constant 0 : i32
      %dma_wait3A_234 = tpu.memref_slice %arg8[%dma_wait3A_232, %dma_wait3A_233] : memref<10240x32xf32, #tpu.memory_space<vmem_shared>> -> memref<10240x32xf32, #tpu.memory_space<vmem_shared>>
      tpu.wait_indirect_dma semaphore(%arg23 : memref<!tpu.dma_semaphore, #tpu.memory_space<semaphore_mem>>) src(%arg15 : memref<128x32xf32, #tpu.memory_space<vmem>>) dst(%dma_wait3A_234 : memref<10240x32xf32, #tpu.memory_space<vmem_shared>>)
      %add3A_235 = arith.constant 2 : i32
      %add3A_236 = arith.addi %add3A_214, %add3A_235 : i32
      %dma_start3A_237 = arith.constant 0 : i32
      %dma_start3A_238 = tpu.memref_slice %arg10[%add3A_236, %dma_start3A_237] : memref<80x128xi32, #tpu.memory_space<vmem>> -> memref<1x128xi32, #tpu.memory_space<vmem>>
      %dma_start3A_239 = tpu.memref_squeeze %dma_start3A_238 : memref<1x128xi32, #tpu.memory_space<vmem>> -> memref<128xi32, #tpu.memory_space<vmem>>
      %dma_start3A_240 = arith.constant 0 : i32
      %dma_start3A_241 = arith.constant 0 : i32
      %dma_start3A_242 = tpu.memref_slice %arg7[%dma_start3A_240, %dma_start3A_241] : memref<10240x32xf32, #tpu.memory_space<vmem_shared>> -> memref<10240x32xf32, #tpu.memory_space<vmem_shared>>
      tpu.enqueue_indirect_dma source(%dma_start3A_242 : memref<10240x32xf32, #tpu.memory_space<vmem_shared>>) target(%arg15 : memref<128x32xf32, #tpu.memory_space<vmem>>) offsets(%dma_start3A_239 : memref<128xi32, #tpu.memory_space<vmem>>) semaphore(%arg19 : memref<!tpu.dma_semaphore, #tpu.memory_space<semaphore_mem>>)
    }
    %scan3A_61 = arith.constant 19 : i32
    %dma_wait3A_62 = arith.constant 78 : i32
    %dma_wait3A_63 = arith.constant 0 : i32
    %dma_wait3A_64 = tpu.memref_slice %arg10[%dma_wait3A_62, %dma_wait3A_63] : memref<80x128xi32, #tpu.memory_space<vmem>> -> memref<1x128xi32, #tpu.memory_space<vmem>>
    %dma_wait3A_65 = tpu.memref_squeeze %dma_wait3A_64 : memref<1x128xi32, #tpu.memory_space<vmem>> -> memref<128xi32, #tpu.memory_space<vmem>>
    %dma_wait3A_66 = arith.constant 0 : i32
    %dma_wait3A_67 = arith.constant 0 : i32
    %dma_wait3A_68 = tpu.memref_slice %arg7[%dma_wait3A_66, %dma_wait3A_67] : memref<10240x32xf32, #tpu.memory_space<vmem_shared>> -> memref<10240x32xf32, #tpu.memory_space<vmem_shared>>
    tpu.wait_indirect_dma semaphore(%arg18 : memref<!tpu.dma_semaphore, #tpu.memory_space<semaphore_mem>>) src(%dma_wait3A_68 : memref<10240x32xf32, #tpu.memory_space<vmem_shared>>) dst(%arg14 : memref<128x32xf32, #tpu.memory_space<vmem>>)
    %dma_start3A_69 = arith.constant 78 : i32
    %dma_start3A_70 = arith.constant 0 : i32
    %dma_start3A_71 = tpu.memref_slice %arg11[%dma_start3A_69, %dma_start3A_70] : memref<80x128xi32, #tpu.memory_space<vmem>> -> memref<1x128xi32, #tpu.memory_space<vmem>>
    %dma_start3A_72 = tpu.memref_squeeze %dma_start3A_71 : memref<1x128xi32, #tpu.memory_space<vmem>> -> memref<128xi32, #tpu.memory_space<vmem>>
    %dma_start3A_73 = arith.constant 0 : i32
    %dma_start3A_74 = arith.constant 0 : i32
    %dma_start3A_75 = tpu.memref_slice %arg8[%dma_start3A_73, %dma_start3A_74] : memref<10240x32xf32, #tpu.memory_space<vmem_shared>> -> memref<10240x32xf32, #tpu.memory_space<vmem_shared>>
    tpu.enqueue_indirect_dma source(%arg14 : memref<128x32xf32, #tpu.memory_space<vmem>>) target(%dma_start3A_75 : memref<10240x32xf32, #tpu.memory_space<vmem_shared>>) offsets(%dma_start3A_72 : memref<128xi32, #tpu.memory_space<vmem>>) semaphore(%arg22 : memref<!tpu.dma_semaphore, #tpu.memory_space<semaphore_mem>>) {add = true}
    %dma_wait3A_76 = arith.constant 76 : i32
    %dma_wait3A_77 = arith.constant 0 : i32
    %dma_wait3A_78 = tpu.memref_slice %arg11[%dma_wait3A_76, %dma_wait3A_77] : memref<80x128xi32, #tpu.memory_space<vmem>> -> memref<1x128xi32, #tpu.memory_space<vmem>>
    %dma_wait3A_79 = tpu.memref_squeeze %dma_wait3A_78 : memref<1x128xi32, #tpu.memory_space<vmem>> -> memref<128xi32, #tpu.memory_space<vmem>>
    %dma_wait3A_80 = arith.constant 0 : i32
    %dma_wait3A_81 = arith.constant 0 : i32
    %dma_wait3A_82 = tpu.memref_slice %arg8[%dma_wait3A_80, %dma_wait3A_81] : memref<10240x32xf32, #tpu.memory_space<vmem_shared>> -> memref<10240x32xf32, #tpu.memory_space<vmem_shared>>
    tpu.wait_indirect_dma semaphore(%arg20 : memref<!tpu.dma_semaphore, #tpu.memory_space<semaphore_mem>>) src(%arg12 : memref<128x32xf32, #tpu.memory_space<vmem>>) dst(%dma_wait3A_82 : memref<10240x32xf32, #tpu.memory_space<vmem_shared>>)
    %dma_wait3A_83 = arith.constant 79 : i32
    %dma_wait3A_84 = arith.constant 0 : i32
    %dma_wait3A_85 = tpu.memref_slice %arg10[%dma_wait3A_83, %dma_wait3A_84] : memref<80x128xi32, #tpu.memory_space<vmem>> -> memref<1x128xi32, #tpu.memory_space<vmem>>
    %dma_wait3A_86 = tpu.memref_squeeze %dma_wait3A_85 : memref<1x128xi32, #tpu.memory_space<vmem>> -> memref<128xi32, #tpu.memory_space<vmem>>
    %dma_wait3A_87 = arith.constant 0 : i32
    %dma_wait3A_88 = arith.constant 0 : i32
    %dma_wait3A_89 = tpu.memref_slice %arg7[%dma_wait3A_87, %dma_wait3A_88] : memref<10240x32xf32, #tpu.memory_space<vmem_shared>> -> memref<10240x32xf32, #tpu.memory_space<vmem_shared>>
    tpu.wait_indirect_dma semaphore(%arg19 : memref<!tpu.dma_semaphore, #tpu.memory_space<semaphore_mem>>) src(%dma_wait3A_89 : memref<10240x32xf32, #tpu.memory_space<vmem_shared>>) dst(%arg15 : memref<128x32xf32, #tpu.memory_space<vmem>>)
    %dma_start3A_90 = arith.constant 79 : i32
    %dma_start3A_91 = arith.constant 0 : i32
    %dma_start3A_92 = tpu.memref_slice %arg11[%dma_start3A_90, %dma_start3A_91] : memref<80x128xi32, #tpu.memory_space<vmem>> -> memref<1x128xi32, #tpu.memory_space<vmem>>
    %dma_start3A_93 = tpu.memref_squeeze %dma_start3A_92 : memref<1x128xi32, #tpu.memory_space<vmem>> -> memref<128xi32, #tpu.memory_space<vmem>>
    %dma_start3A_94 = arith.constant 0 : i32
    %dma_start3A_95 = arith.constant 0 : i32
    %dma_start3A_96 = tpu.memref_slice %arg8[%dma_start3A_94, %dma_start3A_95] : memref<10240x32xf32, #tpu.memory_space<vmem_shared>> -> memref<10240x32xf32, #tpu.memory_space<vmem_shared>>
    tpu.enqueue_indirect_dma source(%arg15 : memref<128x32xf32, #tpu.memory_space<vmem>>) target(%dma_start3A_96 : memref<10240x32xf32, #tpu.memory_space<vmem_shared>>) offsets(%dma_start3A_93 : memref<128xi32, #tpu.memory_space<vmem>>) semaphore(%arg23 : memref<!tpu.dma_semaphore, #tpu.memory_space<semaphore_mem>>) {add = true}
    %dma_wait3A_97 = arith.constant 77 : i32
    %dma_wait3A_98 = arith.constant 0 : i32
    %dma_wait3A_99 = tpu.memref_slice %arg11[%dma_wait3A_97, %dma_wait3A_98] : memref<80x128xi32, #tpu.memory_space<vmem>> -> memref<1x128xi32, #tpu.memory_space<vmem>>
    %dma_wait3A_100 = tpu.memref_squeeze %dma_wait3A_99 : memref<1x128xi32, #tpu.memory_space<vmem>> -> memref<128xi32, #tpu.memory_space<vmem>>
    %dma_wait3A_101 = arith.constant 0 : i32
    %dma_wait3A_102 = arith.constant 0 : i32
    %dma_wait3A_103 = tpu.memref_slice %arg8[%dma_wait3A_101, %dma_wait3A_102] : memref<10240x32xf32, #tpu.memory_space<vmem_shared>> -> memref<10240x32xf32, #tpu.memory_space<vmem_shared>>
    tpu.wait_indirect_dma semaphore(%arg21 : memref<!tpu.dma_semaphore, #tpu.memory_space<semaphore_mem>>) src(%arg13 : memref<128x32xf32, #tpu.memory_space<vmem>>) dst(%dma_wait3A_103 : memref<10240x32xf32, #tpu.memory_space<vmem_shared>>)
    %dma_wait3A_104 = arith.constant 78 : i32
    %dma_wait3A_105 = arith.constant 0 : i32
    %dma_wait3A_106 = tpu.memref_slice %arg11[%dma_wait3A_104, %dma_wait3A_105] : memref<80x128xi32, #tpu.memory_space<vmem>> -> memref<1x128xi32, #tpu.memory_space<vmem>>
    %dma_wait3A_107 = tpu.memref_squeeze %dma_wait3A_106 : memref<1x128xi32, #tpu.memory_space<vmem>> -> memref<128xi32, #tpu.memory_space<vmem>>
    %dma_wait3A_108 = arith.constant 0 : i32
    %dma_wait3A_109 = arith.constant 0 : i32
    %dma_wait3A_110 = tpu.memref_slice %arg8[%dma_wait3A_108, %dma_wait3A_109] : memref<10240x32xf32, #tpu.memory_space<vmem_shared>> -> memref<10240x32xf32, #tpu.memory_space<vmem_shared>>
    tpu.wait_indirect_dma semaphore(%arg22 : memref<!tpu.dma_semaphore, #tpu.memory_space<semaphore_mem>>) src(%arg14 : memref<128x32xf32, #tpu.memory_space<vmem>>) dst(%dma_wait3A_110 : memref<10240x32xf32, #tpu.memory_space<vmem_shared>>)
    %dma_wait3A_111 = arith.constant 79 : i32
    %dma_wait3A_112 = arith.constant 0 : i32
    %dma_wait3A_113 = tpu.memref_slice %arg11[%dma_wait3A_111, %dma_wait3A_112] : memref<80x128xi32, #tpu.memory_space<vmem>> -> memref<1x128xi32, #tpu.memory_space<vmem>>
    %dma_wait3A_114 = tpu.memref_squeeze %dma_wait3A_113 : memref<1x128xi32, #tpu.memory_space<vmem>> -> memref<128xi32, #tpu.memory_space<vmem>>
    %dma_wait3A_115 = arith.constant 0 : i32
    %dma_wait3A_116 = arith.constant 0 : i32
    %dma_wait3A_117 = tpu.memref_slice %arg8[%dma_wait3A_115, %dma_wait3A_116] : memref<10240x32xf32, #tpu.memory_space<vmem_shared>> -> memref<10240x32xf32, #tpu.memory_space<vmem_shared>>
    tpu.wait_indirect_dma semaphore(%arg23 : memref<!tpu.dma_semaphore, #tpu.memory_space<semaphore_mem>>) src(%arg15 : memref<128x32xf32, #tpu.memory_space<vmem>>) dst(%dma_wait3A_117 : memref<10240x32xf32, #tpu.memory_space<vmem_shared>>)
    %barrier3A_118 = arith.constant 0 : index
    tpu.barrier barrier_id(%barrier3A_118)
    "tpu.region"() ({
      %run_scoped3A = tpu.sem_alloc : memref<!tpu.dma_semaphore, #tpu.memory_space<semaphore_mem>>
      %dma_start3A_119 = arith.constant 0 : i32
      %dma_start3A_120 = tpu.memref_slice %arg8[%mul3A_2, %dma_start3A_119] : memref<10240x32xf32, #tpu.memory_space<vmem_shared>> -> memref<640x32xf32, #tpu.memory_space<vmem_shared>>
      %dma_start3A_121 = arith.constant 0 : i32
      %dma_start3A_122 = tpu.memref_slice %arg8[%mul3A_2, %dma_start3A_121] : memref<10240x32xf32, #tpu.memory_space<vmem_shared>> -> memref<640x32xf32, #tpu.memory_space<vmem_shared>>
      tpu.enqueue_dma source(%dma_start3A_122 : memref<640x32xf32, #tpu.memory_space<vmem_shared>>) target(%arg9 : memref<640x32xf32, #tpu.memory_space<vmem>>) target_semaphore(%run_scoped3A : memref<!tpu.dma_semaphore, #tpu.memory_space<semaphore_mem>>)
      %dma_wait3A_123 = arith.constant 0 : i32
      %dma_wait3A_124 = tpu.memref_slice %arg8[%mul3A_2, %dma_wait3A_123] : memref<10240x32xf32, #tpu.memory_space<vmem_shared>> -> memref<640x32xf32, #tpu.memory_space<vmem_shared>>
      %dma_wait3A_125 = arith.constant 0 : i32
      %dma_wait3A_126 = tpu.memref_slice %arg8[%mul3A_2, %dma_wait3A_125] : memref<10240x32xf32, #tpu.memory_space<vmem_shared>> -> memref<640x32xf32, #tpu.memory_space<vmem_shared>>
      tpu.wait_dma2 semaphore(%run_scoped3A : memref<!tpu.dma_semaphore, #tpu.memory_space<semaphore_mem>>) src(%dma_wait3A_126 : memref<640x32xf32, #tpu.memory_space<vmem_shared>>) dst(%arg9 : memref<640x32xf32, #tpu.memory_space<vmem>>)
      tpu.yield
    }) : () -> ()
    "tpu.region"() ({
      %run_scoped3A = tpu.sem_alloc : memref<!tpu.dma_semaphore, #tpu.memory_space<semaphore_mem>>
      %dma_start3A_119 = arith.constant 0 : i32
      %dma_start3A_120 = tpu.memref_slice %arg6[%arg0, %mul3A_2, %dma_start3A_119] : memref<2x10240x32xf32, #tpu.memory_space<hbm>> -> memref<1x640x32xf32, #tpu.memory_space<hbm>>
      %dma_start3A_121 = tpu.memref_squeeze %dma_start3A_120 : memref<1x640x32xf32, #tpu.memory_space<hbm>> -> memref<640x32xf32, #tpu.memory_space<hbm>>
      %dma_start3A_122 = arith.constant 0 : i32
      %dma_start3A_123 = tpu.memref_slice %arg6[%arg0, %mul3A_2, %dma_start3A_122] : memref<2x10240x32xf32, #tpu.memory_space<hbm>> -> memref<1x640x32xf32, #tpu.memory_space<hbm>>
      %dma_start3A_124 = tpu.memref_squeeze %dma_start3A_123 : memref<1x640x32xf32, #tpu.memory_space<hbm>> -> memref<640x32xf32, #tpu.memory_space<hbm>>
      tpu.enqueue_dma source(%arg9 : memref<640x32xf32, #tpu.memory_space<vmem>>) target(%dma_start3A_124 : memref<640x32xf32, #tpu.memory_space<hbm>>) target_semaphore(%run_scoped3A : memref<!tpu.dma_semaphore, #tpu.memory_space<semaphore_mem>>)
      %dma_wait3A_125 = arith.constant 0 : i32
      %dma_wait3A_126 = tpu.memref_slice %arg6[%arg0, %mul3A_2, %dma_wait3A_125] : memref<2x10240x32xf32, #tpu.memory_space<hbm>> -> memref<1x640x32xf32, #tpu.memory_space<hbm>>
      %dma_wait3A_127 = tpu.memref_squeeze %dma_wait3A_126 : memref<1x640x32xf32, #tpu.memory_space<hbm>> -> memref<640x32xf32, #tpu.memory_space<hbm>>
      %dma_wait3A_128 = arith.constant 0 : i32
      %dma_wait3A_129 = tpu.memref_slice %arg6[%arg0, %mul3A_2, %dma_wait3A_128] : memref<2x10240x32xf32, #tpu.memory_space<hbm>> -> memref<1x640x32xf32, #tpu.memory_space<hbm>>
      %dma_wait3A_130 = tpu.memref_squeeze %dma_wait3A_129 : memref<1x640x32xf32, #tpu.memory_space<hbm>> -> memref<640x32xf32, #tpu.memory_space<hbm>>
      tpu.wait_dma2 semaphore(%run_scoped3A : memref<!tpu.dma_semaphore, #tpu.memory_space<semaphore_mem>>) src(%arg9 : memref<640x32xf32, #tpu.memory_space<vmem>>) dst(%dma_wait3A_130 : memref<640x32xf32, #tpu.memory_space<hbm>>)
      tpu.yield
    }) : () -> ()
    return
  }
}

#map = affine_map<(d0, d1) -> (0, 0, 0)>
#map1 = affine_map<(d0, d1) -> (0, 0)>
module attributes {stable_mosaic.version = 14 : i64} {
  func.func @_sc_count(%arg0: i32, %arg1: i32, %arg2: memref<32x80x128xi32, #tpu.memory_space<hbm>>, %arg3: memref<128x32xf32, #tpu.memory_space<hbm>>, %arg4: memref<10240x32xf32, #tpu.memory_space<hbm>>, %arg5: memref<2x10240x32xf32, #tpu.memory_space<hbm>>, %arg6: memref<10240x32xf32, #tpu.memory_space<vmem_shared>>, %arg7: memref<640x32xf32, #tpu.memory_space<vmem>>, %arg8: memref<80x128xi32, #tpu.memory_space<vmem>>, %arg9: memref<128x32xf32, #tpu.memory_space<vmem>>, %arg10: memref<!tpu.dma_semaphore, #tpu.memory_space<semaphore_mem>>) attributes {dimension_semantics = [#tpu.dimension_semantics<core_parallel>, #tpu.dimension_semantics<subcore_parallel>], iteration_bounds = array<i64: 2, 16>, scalar_prefetch = 0 : i64, scratch_operands = 5 : i64, tpu.core_type = #tpu.core_type<sc_vector_subcore>, window_params = [{transform_indices = #map}, {transform_indices = #map1}, {transform_indices = #map1}, {transform_indices = #map}]} {
    %mul3A = arith.constant 2 : i32
    %mul3A_0 = arith.muli %arg1, %mul3A : i32
    %add3A = arith.addi %mul3A_0, %arg0 : i32
    %mul3A_1 = arith.constant 640 : i32
    %mul3A_2 = arith.muli %arg1, %mul3A_1 : i32
    "tpu.region"() ({
      %run_scoped3A = tpu.sem_alloc : memref<!tpu.dma_semaphore, #tpu.memory_space<semaphore_mem>>
      %dma_start3A = arith.constant 0 : i32
      %dma_start3A_15 = tpu.memref_slice %arg4[%mul3A_2, %dma_start3A] : memref<10240x32xf32, #tpu.memory_space<hbm>> -> memref<640x32xf32, #tpu.memory_space<hbm>>
      %dma_start3A_16 = arith.constant 0 : i32
      %dma_start3A_17 = tpu.memref_slice %arg4[%mul3A_2, %dma_start3A_16] : memref<10240x32xf32, #tpu.memory_space<hbm>> -> memref<640x32xf32, #tpu.memory_space<hbm>>
      tpu.enqueue_dma source(%dma_start3A_17 : memref<640x32xf32, #tpu.memory_space<hbm>>) target(%arg7 : memref<640x32xf32, #tpu.memory_space<vmem>>) target_semaphore(%run_scoped3A : memref<!tpu.dma_semaphore, #tpu.memory_space<semaphore_mem>>)
      %dma_wait3A = arith.constant 0 : i32
      %dma_wait3A_18 = tpu.memref_slice %arg4[%mul3A_2, %dma_wait3A] : memref<10240x32xf32, #tpu.memory_space<hbm>> -> memref<640x32xf32, #tpu.memory_space<hbm>>
      %dma_wait3A_19 = arith.constant 0 : i32
      %dma_wait3A_20 = tpu.memref_slice %arg4[%mul3A_2, %dma_wait3A_19] : memref<10240x32xf32, #tpu.memory_space<hbm>> -> memref<640x32xf32, #tpu.memory_space<hbm>>
      tpu.wait_dma2 semaphore(%run_scoped3A : memref<!tpu.dma_semaphore, #tpu.memory_space<semaphore_mem>>) src(%dma_wait3A_20 : memref<640x32xf32, #tpu.memory_space<hbm>>) dst(%arg7 : memref<640x32xf32, #tpu.memory_space<vmem>>)
      tpu.yield
    }) : () -> ()
    "tpu.region"() ({
      %run_scoped3A = tpu.sem_alloc : memref<!tpu.dma_semaphore, #tpu.memory_space<semaphore_mem>>
      %dma_start3A = arith.constant 0 : i32
      %dma_start3A_15 = tpu.memref_slice %arg6[%mul3A_2, %dma_start3A] : memref<10240x32xf32, #tpu.memory_space<vmem_shared>> -> memref<640x32xf32, #tpu.memory_space<vmem_shared>>
      %dma_start3A_16 = arith.constant 0 : i32
      %dma_start3A_17 = tpu.memref_slice %arg6[%mul3A_2, %dma_start3A_16] : memref<10240x32xf32, #tpu.memory_space<vmem_shared>> -> memref<640x32xf32, #tpu.memory_space<vmem_shared>>
      tpu.enqueue_dma source(%arg7 : memref<640x32xf32, #tpu.memory_space<vmem>>) target(%dma_start3A_17 : memref<640x32xf32, #tpu.memory_space<vmem_shared>>) target_semaphore(%run_scoped3A : memref<!tpu.dma_semaphore, #tpu.memory_space<semaphore_mem>>)
      %dma_wait3A = arith.constant 0 : i32
      %dma_wait3A_18 = tpu.memref_slice %arg6[%mul3A_2, %dma_wait3A] : memref<10240x32xf32, #tpu.memory_space<vmem_shared>> -> memref<640x32xf32, #tpu.memory_space<vmem_shared>>
      %dma_wait3A_19 = arith.constant 0 : i32
      %dma_wait3A_20 = tpu.memref_slice %arg6[%mul3A_2, %dma_wait3A_19] : memref<10240x32xf32, #tpu.memory_space<vmem_shared>> -> memref<640x32xf32, #tpu.memory_space<vmem_shared>>
      tpu.wait_dma2 semaphore(%run_scoped3A : memref<!tpu.dma_semaphore, #tpu.memory_space<semaphore_mem>>) src(%arg7 : memref<640x32xf32, #tpu.memory_space<vmem>>) dst(%dma_wait3A_20 : memref<640x32xf32, #tpu.memory_space<vmem_shared>>)
      tpu.yield
    }) : () -> ()
    "tpu.region"() ({
      %run_scoped3A = tpu.sem_alloc : memref<!tpu.dma_semaphore, #tpu.memory_space<semaphore_mem>>
      tpu.enqueue_dma source(%arg3 : memref<128x32xf32, #tpu.memory_space<hbm>>) target(%arg9 : memref<128x32xf32, #tpu.memory_space<vmem>>) target_semaphore(%run_scoped3A : memref<!tpu.dma_semaphore, #tpu.memory_space<semaphore_mem>>)
      tpu.wait_dma2 semaphore(%run_scoped3A : memref<!tpu.dma_semaphore, #tpu.memory_space<semaphore_mem>>) src(%arg3 : memref<128x32xf32, #tpu.memory_space<hbm>>) dst(%arg9 : memref<128x32xf32, #tpu.memory_space<vmem>>)
      tpu.yield
    }) : () -> ()
    "tpu.region"() ({
      %run_scoped3A = tpu.sem_alloc : memref<!tpu.dma_semaphore, #tpu.memory_space<semaphore_mem>>
      %dma_start3A = arith.constant 0 : i32
      %dma_start3A_15 = arith.constant 0 : i32
      %dma_start3A_16 = tpu.memref_slice %arg2[%add3A, %dma_start3A, %dma_start3A_15] : memref<32x80x128xi32, #tpu.memory_space<hbm>> -> memref<1x80x128xi32, #tpu.memory_space<hbm>>
      %dma_start3A_17 = tpu.memref_squeeze %dma_start3A_16 : memref<1x80x128xi32, #tpu.memory_space<hbm>> -> memref<80x128xi32, #tpu.memory_space<hbm>>
      %dma_start3A_18 = arith.constant 0 : i32
      %dma_start3A_19 = arith.constant 0 : i32
      %dma_start3A_20 = tpu.memref_slice %arg2[%add3A, %dma_start3A_18, %dma_start3A_19] : memref<32x80x128xi32, #tpu.memory_space<hbm>> -> memref<1x80x128xi32, #tpu.memory_space<hbm>>
      %dma_start3A_21 = tpu.memref_squeeze %dma_start3A_20 : memref<1x80x128xi32, #tpu.memory_space<hbm>> -> memref<80x128xi32, #tpu.memory_space<hbm>>
      tpu.enqueue_dma source(%dma_start3A_21 : memref<80x128xi32, #tpu.memory_space<hbm>>) target(%arg8 : memref<80x128xi32, #tpu.memory_space<vmem>>) target_semaphore(%run_scoped3A : memref<!tpu.dma_semaphore, #tpu.memory_space<semaphore_mem>>)
      %dma_wait3A = arith.constant 0 : i32
      %dma_wait3A_22 = arith.constant 0 : i32
      %dma_wait3A_23 = tpu.memref_slice %arg2[%add3A, %dma_wait3A, %dma_wait3A_22] : memref<32x80x128xi32, #tpu.memory_space<hbm>> -> memref<1x80x128xi32, #tpu.memory_space<hbm>>
      %dma_wait3A_24 = tpu.memref_squeeze %dma_wait3A_23 : memref<1x80x128xi32, #tpu.memory_space<hbm>> -> memref<80x128xi32, #tpu.memory_space<hbm>>
      %dma_wait3A_25 = arith.constant 0 : i32
      %dma_wait3A_26 = arith.constant 0 : i32
      %dma_wait3A_27 = tpu.memref_slice %arg2[%add3A, %dma_wait3A_25, %dma_wait3A_26] : memref<32x80x128xi32, #tpu.memory_space<hbm>> -> memref<1x80x128xi32, #tpu.memory_space<hbm>>
      %dma_wait3A_28 = tpu.memref_squeeze %dma_wait3A_27 : memref<1x80x128xi32, #tpu.memory_space<hbm>> -> memref<80x128xi32, #tpu.memory_space<hbm>>
      tpu.wait_dma2 semaphore(%run_scoped3A : memref<!tpu.dma_semaphore, #tpu.memory_space<semaphore_mem>>) src(%dma_wait3A_28 : memref<80x128xi32, #tpu.memory_space<hbm>>) dst(%arg8 : memref<80x128xi32, #tpu.memory_space<vmem>>)
      tpu.yield
    }) : () -> ()
    %barrier3A = arith.constant 0 : index
    tpu.barrier barrier_id(%barrier3A)
    %scan3A = arith.constant 0 : i32
    %scan3A_3 = arith.constant 0 : i32
    %scan3A_4 = arith.constant 80 : i32
    %scan3A_5 = arith.addi %scan3A_3, %scan3A_4 : i32
    %scan3A_6 = arith.constant 1 : i32
    scf.for %scan3A_15 = %scan3A_3 to %scan3A_5 step %scan3A_6  : i32 {
      %dma_start3A = arith.constant 0 : i32
      %dma_start3A_16 = tpu.memref_slice %arg8[%scan3A_15, %dma_start3A] : memref<80x128xi32, #tpu.memory_space<vmem>> -> memref<1x128xi32, #tpu.memory_space<vmem>>
      %dma_start3A_17 = tpu.memref_squeeze %dma_start3A_16 : memref<1x128xi32, #tpu.memory_space<vmem>> -> memref<128xi32, #tpu.memory_space<vmem>>
      %dma_start3A_18 = arith.constant 0 : i32
      %dma_start3A_19 = arith.constant 0 : i32
      %dma_start3A_20 = tpu.memref_slice %arg6[%dma_start3A_18, %dma_start3A_19] : memref<10240x32xf32, #tpu.memory_space<vmem_shared>> -> memref<10240x32xf32, #tpu.memory_space<vmem_shared>>
      tpu.enqueue_indirect_dma source(%arg9 : memref<128x32xf32, #tpu.memory_space<vmem>>) target(%dma_start3A_20 : memref<10240x32xf32, #tpu.memory_space<vmem_shared>>) offsets(%dma_start3A_17 : memref<128xi32, #tpu.memory_space<vmem>>) semaphore(%arg10 : memref<!tpu.dma_semaphore, #tpu.memory_space<semaphore_mem>>) {add = true}
    }
    %scan3A_7 = arith.constant 80 : i32
    %scan3A_8 = arith.constant 0 : i32
    %scan3A_9 = arith.constant 0 : i32
    %scan3A_10 = arith.constant 80 : i32
    %scan3A_11 = arith.addi %scan3A_9, %scan3A_10 : i32
    %scan3A_12 = arith.constant 1 : i32
    scf.for %scan3A_15 = %scan3A_9 to %scan3A_11 step %scan3A_12  : i32 {
      %dma_wait3A = arith.constant 0 : i32
      %dma_wait3A_16 = tpu.memref_slice %arg8[%scan3A_15, %dma_wait3A] : memref<80x128xi32, #tpu.memory_space<vmem>> -> memref<1x128xi32, #tpu.memory_space<vmem>>
      %dma_wait3A_17 = tpu.memref_squeeze %dma_wait3A_16 : memref<1x128xi32, #tpu.memory_space<vmem>> -> memref<128xi32, #tpu.memory_space<vmem>>
      %dma_wait3A_18 = arith.constant 0 : i32
      %dma_wait3A_19 = arith.constant 0 : i32
      %dma_wait3A_20 = tpu.memref_slice %arg6[%dma_wait3A_18, %dma_wait3A_19] : memref<10240x32xf32, #tpu.memory_space<vmem_shared>> -> memref<10240x32xf32, #tpu.memory_space<vmem_shared>>
      tpu.wait_indirect_dma semaphore(%arg10 : memref<!tpu.dma_semaphore, #tpu.memory_space<semaphore_mem>>) src(%arg9 : memref<128x32xf32, #tpu.memory_space<vmem>>) dst(%dma_wait3A_20 : memref<10240x32xf32, #tpu.memory_space<vmem_shared>>)
    }
    %scan3A_13 = arith.constant 80 : i32
    %barrier3A_14 = arith.constant 0 : index
    tpu.barrier barrier_id(%barrier3A_14)
    "tpu.region"() ({
      %run_scoped3A = tpu.sem_alloc : memref<!tpu.dma_semaphore, #tpu.memory_space<semaphore_mem>>
      %dma_start3A = arith.constant 0 : i32
      %dma_start3A_15 = tpu.memref_slice %arg6[%mul3A_2, %dma_start3A] : memref<10240x32xf32, #tpu.memory_space<vmem_shared>> -> memref<640x32xf32, #tpu.memory_space<vmem_shared>>
      %dma_start3A_16 = arith.constant 0 : i32
      %dma_start3A_17 = tpu.memref_slice %arg6[%mul3A_2, %dma_start3A_16] : memref<10240x32xf32, #tpu.memory_space<vmem_shared>> -> memref<640x32xf32, #tpu.memory_space<vmem_shared>>
      tpu.enqueue_dma source(%dma_start3A_17 : memref<640x32xf32, #tpu.memory_space<vmem_shared>>) target(%arg7 : memref<640x32xf32, #tpu.memory_space<vmem>>) target_semaphore(%run_scoped3A : memref<!tpu.dma_semaphore, #tpu.memory_space<semaphore_mem>>)
      %dma_wait3A = arith.constant 0 : i32
      %dma_wait3A_18 = tpu.memref_slice %arg6[%mul3A_2, %dma_wait3A] : memref<10240x32xf32, #tpu.memory_space<vmem_shared>> -> memref<640x32xf32, #tpu.memory_space<vmem_shared>>
      %dma_wait3A_19 = arith.constant 0 : i32
      %dma_wait3A_20 = tpu.memref_slice %arg6[%mul3A_2, %dma_wait3A_19] : memref<10240x32xf32, #tpu.memory_space<vmem_shared>> -> memref<640x32xf32, #tpu.memory_space<vmem_shared>>
      tpu.wait_dma2 semaphore(%run_scoped3A : memref<!tpu.dma_semaphore, #tpu.memory_space<semaphore_mem>>) src(%dma_wait3A_20 : memref<640x32xf32, #tpu.memory_space<vmem_shared>>) dst(%arg7 : memref<640x32xf32, #tpu.memory_space<vmem>>)
      tpu.yield
    }) : () -> ()
    "tpu.region"() ({
      %run_scoped3A = tpu.sem_alloc : memref<!tpu.dma_semaphore, #tpu.memory_space<semaphore_mem>>
      %dma_start3A = arith.constant 0 : i32
      %dma_start3A_15 = tpu.memref_slice %arg5[%arg0, %mul3A_2, %dma_start3A] : memref<2x10240x32xf32, #tpu.memory_space<hbm>> -> memref<1x640x32xf32, #tpu.memory_space<hbm>>
      %dma_start3A_16 = tpu.memref_squeeze %dma_start3A_15 : memref<1x640x32xf32, #tpu.memory_space<hbm>> -> memref<640x32xf32, #tpu.memory_space<hbm>>
      %dma_start3A_17 = arith.constant 0 : i32
      %dma_start3A_18 = tpu.memref_slice %arg5[%arg0, %mul3A_2, %dma_start3A_17] : memref<2x10240x32xf32, #tpu.memory_space<hbm>> -> memref<1x640x32xf32, #tpu.memory_space<hbm>>
      %dma_start3A_19 = tpu.memref_squeeze %dma_start3A_18 : memref<1x640x32xf32, #tpu.memory_space<hbm>> -> memref<640x32xf32, #tpu.memory_space<hbm>>
      tpu.enqueue_dma source(%arg7 : memref<640x32xf32, #tpu.memory_space<vmem>>) target(%dma_start3A_19 : memref<640x32xf32, #tpu.memory_space<hbm>>) target_semaphore(%run_scoped3A : memref<!tpu.dma_semaphore, #tpu.memory_space<semaphore_mem>>)
      %dma_wait3A = arith.constant 0 : i32
      %dma_wait3A_20 = tpu.memref_slice %arg5[%arg0, %mul3A_2, %dma_wait3A] : memref<2x10240x32xf32, #tpu.memory_space<hbm>> -> memref<1x640x32xf32, #tpu.memory_space<hbm>>
      %dma_wait3A_21 = tpu.memref_squeeze %dma_wait3A_20 : memref<1x640x32xf32, #tpu.memory_space<hbm>> -> memref<640x32xf32, #tpu.memory_space<hbm>>
      %dma_wait3A_22 = arith.constant 0 : i32
      %dma_wait3A_23 = tpu.memref_slice %arg5[%arg0, %mul3A_2, %dma_wait3A_22] : memref<2x10240x32xf32, #tpu.memory_space<hbm>> -> memref<1x640x32xf32, #tpu.memory_space<hbm>>
      %dma_wait3A_24 = tpu.memref_squeeze %dma_wait3A_23 : memref<1x640x32xf32, #tpu.memory_space<hbm>> -> memref<640x32xf32, #tpu.memory_space<hbm>>
      tpu.wait_dma2 semaphore(%run_scoped3A : memref<!tpu.dma_semaphore, #tpu.memory_space<semaphore_mem>>) src(%arg7 : memref<640x32xf32, #tpu.memory_space<vmem>>) dst(%dma_wait3A_24 : memref<640x32xf32, #tpu.memory_space<hbm>>)
      tpu.yield
    }) : () -> ()
    return
  }
}

module attributes {stable_mosaic.version = 14 : i64} {
  func.func @_tc_scale_body(%arg0: memref<2x2560x128xf32, #tpu.memory_space<vmem>>, %arg1: memref<2500x512xf32, #tpu.memory_space<vmem>>, %arg2: memref<512x128xf32, #tpu.memory_space<vmem>>, %arg3: memref<2560x128xf32, #tpu.memory_space<vmem>>, %arg4: memref<2560x128xf32, #tpu.memory_space<vmem>>) attributes {dimension_semantics = [], scalar_prefetch = 0 : i64, scratch_operands = 0 : i64, tpu.core_type = #tpu.core_type<tc>} {
    %get3A = arith.constant 0 : index
    %get3A_0 = arith.constant 0 : index
    %get3A_1 = arith.constant 0 : index
    %get3A_2 = vector.load %arg0[%get3A, %get3A_0, %get3A_1] : memref<2x2560x128xf32, #tpu.memory_space<vmem>>, vector<1x2560x128xf32>
    %get3A_3 = vector.shape_cast %get3A_2 : vector<1x2560x128xf32> to vector<2560x128xf32>
    %get3A_4 = arith.constant 1 : index
    %get3A_5 = arith.constant 0 : index
    %get3A_6 = arith.constant 0 : index
    %get3A_7 = vector.load %arg0[%get3A_4, %get3A_5, %get3A_6] : memref<2x2560x128xf32, #tpu.memory_space<vmem>>, vector<1x2560x128xf32>
    %get3A_8 = vector.shape_cast %get3A_7 : vector<1x2560x128xf32> to vector<2560x128xf32>
    %add3A = arith.addf %get3A_3, %get3A_8 : vector<2560x128xf32>
    %add3A_9 = arith.constant 1.000000e+00 : f32
    %add3A_10 = vector.broadcast %add3A_9 : f32 to vector<2560x128xf32>
    %add3A_11 = arith.addf %add3A, %add3A_10 : vector<2560x128xf32>
    %rsqrt3A = math.rsqrt %add3A_11 : vector<2560x128xf32>
    %swap3A = arith.constant 0 : index
    %swap3A_12 = arith.constant 0 : index
    %swap3A_13 = vector.load %arg4[%swap3A, %swap3A_12] : memref<2560x128xf32, #tpu.memory_space<vmem>>, vector<2560x128xf32>
    tpu.vector_store %arg4[%swap3A, %swap3A_12], %rsqrt3A {strides = array<i32>} : memref<2560x128xf32, #tpu.memory_space<vmem>>, vector<2560x128xf32>,
    %get3A_14 = arith.constant 0 : index
    %get3A_15 = arith.constant 0 : index
    %get3A_16 = vector.load %arg1[%get3A_14, %get3A_15] : memref<2500x512xf32, #tpu.memory_space<vmem>>, vector<2500x512xf32>
    %get3A_17 = arith.constant 0 : index
    %get3A_18 = arith.constant 0 : index
    %get3A_19 = vector.load %arg2[%get3A_17, %get3A_18] : memref<512x128xf32, #tpu.memory_space<vmem>>, vector<512x128xf32>
    %dot_general3A = arith.constant dense<0.000000e+00> : vector<2500x128xf32>
    %dot_general3A_20 = tpu.matmul %get3A_16, %get3A_19, %dot_general3A {dimension_numbers = #tpu.dot_dimension_numbers<[1], [0], [0], [1], [0, 0, 1, 1], [], []>, precision = #tpu.contract_precision<fp32>, transpose_lhs_hint = false} : vector<2500x512xf32>, vector<512x128xf32>, vector<2500x128xf32> -> vector<2500x128xf32>
    %broadcast_in_dim3A = arith.constant 0.000000e+00 : f32
    %broadcast_in_dim3A_21 = vector.broadcast %broadcast_in_dim3A : f32 to vector<60x128xf32>
    %concatenate3A = tpu.concatenate %dot_general3A_20, %broadcast_in_dim3A_21 in 0 : vector<2500x128xf32>, vector<60x128xf32> -> vector<2560x128xf32>
    %mul3A = arith.mulf %concatenate3A, %rsqrt3A : vector<2560x128xf32>
    %swap3A_22 = arith.constant 0 : index
    %swap3A_23 = arith.constant 0 : index
    %swap3A_24 = vector.load %arg3[%swap3A_22, %swap3A_23] : memref<2560x128xf32, #tpu.memory_space<vmem>>, vector<2560x128xf32>
    tpu.vector_store %arg3[%swap3A_22, %swap3A_23], %mul3A {strides = array<i32>} : memref<2560x128xf32, #tpu.memory_space<vmem>>, vector<2560x128xf32>,
    return
  }
}

module attributes {stable_mosaic.version = 14 : i64} {
  func.func @_tc_mid_body(%arg0: memref<2x2560x128xf32, #tpu.memory_space<vmem>>, %arg1: memref<2560x128xf32, #tpu.memory_space<vmem>>, %arg2: memref<2560x128xf32, #tpu.memory_space<vmem>>, %arg3: memref<1x32xf32, #tpu.memory_space<vmem>>, %arg4: memref<128x128xf32, #tpu.memory_space<vmem>>, %arg5: memref<2560x128xf32, #tpu.memory_space<vmem>>) attributes {dimension_semantics = [], scalar_prefetch = 0 : i64, scratch_operands = 0 : i64, tpu.core_type = #tpu.core_type<tc>} {
    %get3A = arith.constant 0 : index
    %get3A_0 = arith.constant 0 : index
    %get3A_1 = arith.constant 0 : index
    %get3A_2 = vector.load %arg0[%get3A, %get3A_0, %get3A_1] : memref<2x2560x128xf32, #tpu.memory_space<vmem>>, vector<1x2560x128xf32>
    %get3A_3 = vector.shape_cast %get3A_2 : vector<1x2560x128xf32> to vector<2560x128xf32>
    %get3A_4 = arith.constant 1 : index
    %get3A_5 = arith.constant 0 : index
    %get3A_6 = arith.constant 0 : index
    %get3A_7 = vector.load %arg0[%get3A_4, %get3A_5, %get3A_6] : memref<2x2560x128xf32, #tpu.memory_space<vmem>>, vector<1x2560x128xf32>
    %get3A_8 = vector.shape_cast %get3A_7 : vector<1x2560x128xf32> to vector<2560x128xf32>
    %add3A = arith.addf %get3A_3, %get3A_8 : vector<2560x128xf32>
    %get3A_9 = arith.constant 0 : index
    %get3A_10 = arith.constant 0 : index
    %get3A_11 = vector.load %arg1[%get3A_9, %get3A_10] : memref<2560x128xf32, #tpu.memory_space<vmem>>, vector<2560x128xf32>
    %add3A_12 = arith.addf %add3A, %get3A_11 : vector<2560x128xf32>
    %get3A_13 = arith.constant 0 : index
    %get3A_14 = arith.constant 0 : index
    %get3A_15 = vector.load %arg2[%get3A_13, %get3A_14] : memref<2560x128xf32, #tpu.memory_space<vmem>>, vector<2560x128xf32>
    %mul3A = arith.mulf %get3A_15, %add3A_12 : vector<2560x128xf32>
    %get3A_16 = arith.constant 0 : index
    %get3A_17 = arith.constant 0 : index
    %get3A_18 = vector.load %arg3[%get3A_16, %get3A_17] : memref<1x32xf32, #tpu.memory_space<vmem>>, vector<1x32xf32>
    %concatenate3A = tpu.concatenate %get3A_18, %get3A_18, %get3A_18, %get3A_18 in 1 : vector<1x32xf32>, vector<1x32xf32>, vector<1x32xf32>, vector<1x32xf32> -> vector<1x128xf32>
    %add3A_19 = vector.broadcast %concatenate3A : vector<1x128xf32> to vector<2560x128xf32>
    %add3A_20 = arith.addf %mul3A, %add3A_19 : vector<2560x128xf32>
    %max3A = arith.constant 0.000000e+00 : f32
    %max3A_21 = vector.broadcast %max3A : f32 to vector<2560x128xf32>
    %max3A_22 = arith.maximumf %add3A_20, %max3A_21 : vector<2560x128xf32>
    %get3A_23 = arith.constant 0 : index
    %get3A_24 = arith.constant 0 : index
    %get3A_25 = vector.load %arg4[%get3A_23, %get3A_24] : memref<128x128xf32, #tpu.memory_space<vmem>>, vector<128x128xf32>
    %dot_general3A = arith.constant dense<0.000000e+00> : vector<2560x128xf32>
    %dot_general3A_26 = tpu.matmul %max3A_22, %get3A_25, %dot_general3A {dimension_numbers = #tpu.dot_dimension_numbers<[1], [0], [0], [1], [0, 0, 1, 1], [], []>, precision = #tpu.contract_precision<fp32>, transpose_lhs_hint = false} : vector<2560x128xf32>, vector<128x128xf32>, vector<2560x128xf32> -> vector<2560x128xf32>
    %get3A_27 = arith.constant 0 : index
    %get3A_28 = arith.constant 0 : index
    %get3A_29 = vector.load %arg2[%get3A_27, %get3A_28] : memref<2560x128xf32, #tpu.memory_space<vmem>>, vector<2560x128xf32>
    %mul3A_30 = arith.mulf %dot_general3A_26, %get3A_29 : vector<2560x128xf32>
    %iota3A = tpu.iota {dimensions = array<i32: 0>} : vector<2560x128xi32>
    %lt3A = arith.constant 2500 : i32
    %lt3A_31 = vector.broadcast %lt3A : i32 to vector<2560x128xi32>
    %lt3A_32 = arith.cmpi slt, %iota3A, %lt3A_31 : vector<2560x128xi32>
    %convert_element_type3A = arith.extui %lt3A_32 : vector<2560x128xi1> to vector<2560x128xi32>
    %convert_element_type3A_33 = arith.sitofp %convert_element_type3A : vector<2560x128xi32> to vector<2560x128xf32>
    %mul3A_34 = arith.mulf %mul3A_30, %convert_element_type3A_33 : vector<2560x128xf32>
    %swap3A = arith.constant 0 : index
    %swap3A_35 = arith.constant 0 : index
    %swap3A_36 = vector.load %arg5[%swap3A, %swap3A_35] : memref<2560x128xf32, #tpu.memory_space<vmem>>, vector<2560x128xf32>
    tpu.vector_store %arg5[%swap3A, %swap3A_35], %mul3A_34 {strides = array<i32>} : memref<2560x128xf32, #tpu.memory_space<vmem>>, vector<2560x128xf32>,
    return
  }
}

module attributes {stable_mosaic.version = 14 : i64} {
  func.func @_tc_final_body(%arg0: memref<2x2560x128xf32, #tpu.memory_space<vmem>>, %arg1: memref<2560x128xf32, #tpu.memory_space<vmem>>, %arg2: memref<2560x128xf32, #tpu.memory_space<vmem>>, %arg3: memref<1x32xf32, #tpu.memory_space<vmem>>, %arg4: memref<4x2560xi32, #tpu.memory_space<vmem>>, %arg5: memref<32x32xf32, #tpu.memory_space<vmem>>, %arg6: memref<1x32xf32, #tpu.memory_space<vmem>>, %arg7: memref<128x32xf32, #tpu.memory_space<vmem>>) attributes {dimension_semantics = [], scalar_prefetch = 0 : i64, scratch_operands = 0 : i64, tpu.core_type = #tpu.core_type<tc>} {
    %get3A = arith.constant 0 : index
    %get3A_0 = arith.constant 0 : index
    %get3A_1 = arith.constant 0 : index
    %get3A_2 = vector.load %arg0[%get3A, %get3A_0, %get3A_1] : memref<2x2560x128xf32, #tpu.memory_space<vmem>>, vector<1x2560x128xf32>
    %get3A_3 = vector.shape_cast %get3A_2 : vector<1x2560x128xf32> to vector<2560x128xf32>
    %get3A_4 = arith.constant 1 : index
    %get3A_5 = arith.constant 0 : index
    %get3A_6 = arith.constant 0 : index
    %get3A_7 = vector.load %arg0[%get3A_4, %get3A_5, %get3A_6] : memref<2x2560x128xf32, #tpu.memory_space<vmem>>, vector<1x2560x128xf32>
    %get3A_8 = vector.shape_cast %get3A_7 : vector<1x2560x128xf32> to vector<2560x128xf32>
    %add3A = arith.addf %get3A_3, %get3A_8 : vector<2560x128xf32>
    %get3A_9 = arith.constant 0 : index
    %get3A_10 = arith.constant 0 : index
    %get3A_11 = vector.load %arg1[%get3A_9, %get3A_10] : memref<2560x128xf32, #tpu.memory_space<vmem>>, vector<2560x128xf32>
    %add3A_12 = arith.addf %add3A, %get3A_11 : vector<2560x128xf32>
    %get3A_13 = arith.constant 0 : index
    %get3A_14 = arith.constant 0 : index
    %get3A_15 = vector.load %arg2[%get3A_13, %get3A_14] : memref<2560x128xf32, #tpu.memory_space<vmem>>, vector<2560x128xf32>
    %mul3A = arith.mulf %get3A_15, %add3A_12 : vector<2560x128xf32>
    %get3A_16 = arith.constant 0 : index
    %get3A_17 = arith.constant 0 : index
    %get3A_18 = vector.load %arg3[%get3A_16, %get3A_17] : memref<1x32xf32, #tpu.memory_space<vmem>>, vector<1x32xf32>
    %concatenate3A = tpu.concatenate %get3A_18, %get3A_18, %get3A_18, %get3A_18 in 1 : vector<1x32xf32>, vector<1x32xf32>, vector<1x32xf32>, vector<1x32xf32> -> vector<1x128xf32>
    %add3A_19 = vector.broadcast %concatenate3A : vector<1x128xf32> to vector<2560x128xf32>
    %add3A_20 = arith.addf %mul3A, %add3A_19 : vector<2560x128xf32>
    %max3A = arith.constant 0.000000e+00 : f32
    %max3A_21 = vector.broadcast %max3A : f32 to vector<2560x128xf32>
    %max3A_22 = arith.maximumf %add3A_20, %max3A_21 : vector<2560x128xf32>
    %iota3A = tpu.iota {dimensions = array<i32: 0>} : vector<128x2560xi32>
    %broadcast_in_dim3A = arith.constant 0.000000e+00 : f32
    %broadcast_in_dim3A_23 = vector.broadcast %broadcast_in_dim3A : f32 to vector<128x32xf32>
    %broadcast_in_dim3A_24 = arith.constant 0.000000e+00 : f32
    %broadcast_in_dim3A_25 = vector.broadcast %broadcast_in_dim3A_24 : f32 to vector<128x1xf32>
    %broadcast_in_dim3A_26 = arith.constant 1.000000e+00 : f32
    %broadcast_in_dim3A_27 = vector.broadcast %broadcast_in_dim3A_26 : f32 to vector<2560x1xf32>
    %get3A_28 = arith.constant 0 : index
    %get3A_29 = arith.constant 0 : index
    %get3A_30 = vector.load %arg4[%get3A_28, %get3A_29] : memref<4x2560xi32, #tpu.memory_space<vmem>>, vector<1x2560xi32>
    %eq3A = vector.broadcast %get3A_30 : vector<1x2560xi32> to vector<128x2560xi32>
    %eq3A_31 = arith.cmpi eq, %eq3A, %iota3A : vector<128x2560xi32>
    %convert_element_type3A = arith.extui %eq3A_31 : vector<128x2560xi1> to vector<128x2560xi32>
    %convert_element_type3A_32 = arith.sitofp %convert_element_type3A : vector<128x2560xi32> to vector<128x2560xf32>
    %slice3A = vector.extract_strided_slice %max3A_22 {offsets = [0, 0], sizes = [2560, 32], strides = [1, 1]} : vector<2560x128xf32> to vector<2560x32xf32>
    %dot_general3A = arith.constant dense<0.000000e+00> : vector<128x32xf32>
    %dot_general3A_33 = tpu.matmul %convert_element_type3A_32, %slice3A, %dot_general3A {dimension_numbers = #tpu.dot_dimension_numbers<[1], [0], [0], [1], [0, 0, 1, 1], [], []>, precision = #tpu.contract_precision<fp32>, transpose_lhs_hint = false} : vector<128x2560xf32>, vector<2560x32xf32>, vector<128x32xf32> -> vector<128x32xf32>
    %add3A_34 = arith.addf %broadcast_in_dim3A_23, %dot_general3A_33 : vector<128x32xf32>
    %dot_general3A_35 = arith.constant dense<0.000000e+00> : vector<128x1xf32>
    %dot_general3A_36 = tpu.matmul %convert_element_type3A_32, %broadcast_in_dim3A_27, %dot_general3A_35 {dimension_numbers = #tpu.dot_dimension_numbers<[1], [0], [0], [1], [0, 0, 1, 1], [], []>, precision = #tpu.contract_precision<fp32>, transpose_lhs_hint = false} : vector<128x2560xf32>, vector<2560x1xf32>, vector<128x1xf32> -> vector<128x1xf32>
    %add3A_37 = arith.addf %broadcast_in_dim3A_25, %dot_general3A_36 : vector<128x1xf32>
    %get3A_38 = arith.constant 1 : index
    %get3A_39 = arith.constant 0 : index
    %get3A_40 = vector.load %arg4[%get3A_38, %get3A_39] : memref<4x2560xi32, #tpu.memory_space<vmem>>, vector<1x2560xi32>
    %eq3A_41 = vector.broadcast %get3A_40 : vector<1x2560xi32> to vector<128x2560xi32>
    %eq3A_42 = arith.cmpi eq, %eq3A_41, %iota3A : vector<128x2560xi32>
    %convert_element_type3A_43 = arith.extui %eq3A_42 : vector<128x2560xi1> to vector<128x2560xi32>
    %convert_element_type3A_44 = arith.sitofp %convert_element_type3A_43 : vector<128x2560xi32> to vector<128x2560xf32>
    %slice3A_45 = vector.extract_strided_slice %max3A_22 {offsets = [0, 32], sizes = [2560, 32], strides = [1, 1]} : vector<2560x128xf32> to vector<2560x32xf32>
    %dot_general3A_46 = arith.constant dense<0.000000e+00> : vector<128x32xf32>
    %dot_general3A_47 = tpu.matmul %convert_element_type3A_44, %slice3A_45, %dot_general3A_46 {dimension_numbers = #tpu.dot_dimension_numbers<[1], [0], [0], [1], [0, 0, 1, 1], [], []>, precision = #tpu.contract_precision<fp32>, transpose_lhs_hint = false} : vector<128x2560xf32>, vector<2560x32xf32>, vector<128x32xf32> -> vector<128x32xf32>
    %add3A_48 = arith.addf %add3A_34, %dot_general3A_47 : vector<128x32xf32>
    %dot_general3A_49 = arith.constant dense<0.000000e+00> : vector<128x1xf32>
    %dot_general3A_50 = tpu.matmul %convert_element_type3A_44, %broadcast_in_dim3A_27, %dot_general3A_49 {dimension_numbers = #tpu.dot_dimension_numbers<[1], [0], [0], [1], [0, 0, 1, 1], [], []>, precision = #tpu.contract_precision<fp32>, transpose_lhs_hint = false} : vector<128x2560xf32>, vector<2560x1xf32>, vector<128x1xf32> -> vector<128x1xf32>
    %add3A_51 = arith.addf %add3A_37, %dot_general3A_50 : vector<128x1xf32>
    %get3A_52 = arith.constant 2 : index
    %get3A_53 = arith.constant 0 : index
    %get3A_54 = vector.load %arg4[%get3A_52, %get3A_53] : memref<4x2560xi32, #tpu.memory_space<vmem>>, vector<1x2560xi32>
    %eq3A_55 = vector.broadcast %get3A_54 : vector<1x2560xi32> to vector<128x2560xi32>
    %eq3A_56 = arith.cmpi eq, %eq3A_55, %iota3A : vector<128x2560xi32>
    %convert_element_type3A_57 = arith.extui %eq3A_56 : vector<128x2560xi1> to vector<128x2560xi32>
    %convert_element_type3A_58 = arith.sitofp %convert_element_type3A_57 : vector<128x2560xi32> to vector<128x2560xf32>
    %slice3A_59 = vector.extract_strided_slice %max3A_22 {offsets = [0, 64], sizes = [2560, 32], strides = [1, 1]} : vector<2560x128xf32> to vector<2560x32xf32>
    %dot_general3A_60 = arith.constant dense<0.000000e+00> : vector<128x32xf32>
    %dot_general3A_61 = tpu.matmul %convert_element_type3A_58, %slice3A_59, %dot_general3A_60 {dimension_numbers = #tpu.dot_dimension_numbers<[1], [0], [0], [1], [0, 0, 1, 1], [], []>, precision = #tpu.contract_precision<fp32>, transpose_lhs_hint = false} : vector<128x2560xf32>, vector<2560x32xf32>, vector<128x32xf32> -> vector<128x32xf32>
    %add3A_62 = arith.addf %add3A_48, %dot_general3A_61 : vector<128x32xf32>
    %dot_general3A_63 = arith.constant dense<0.000000e+00> : vector<128x1xf32>
    %dot_general3A_64 = tpu.matmul %convert_element_type3A_58, %broadcast_in_dim3A_27, %dot_general3A_63 {dimension_numbers = #tpu.dot_dimension_numbers<[1], [0], [0], [1], [0, 0, 1, 1], [], []>, precision = #tpu.contract_precision<fp32>, transpose_lhs_hint = false} : vector<128x2560xf32>, vector<2560x1xf32>, vector<128x1xf32> -> vector<128x1xf32>
    %add3A_65 = arith.addf %add3A_51, %dot_general3A_64 : vector<128x1xf32>
    %get3A_66 = arith.constant 3 : index
    %get3A_67 = arith.constant 0 : index
    %get3A_68 = vector.load %arg4[%get3A_66, %get3A_67] : memref<4x2560xi32, #tpu.memory_space<vmem>>, vector<1x2560xi32>
    %eq3A_69 = vector.broadcast %get3A_68 : vector<1x2560xi32> to vector<128x2560xi32>
    %eq3A_70 = arith.cmpi eq, %eq3A_69, %iota3A : vector<128x2560xi32>
    %convert_element_type3A_71 = arith.extui %eq3A_70 : vector<128x2560xi1> to vector<128x2560xi32>
    %convert_element_type3A_72 = arith.sitofp %convert_element_type3A_71 : vector<128x2560xi32> to vector<128x2560xf32>
    %slice3A_73 = vector.extract_strided_slice %max3A_22 {offsets = [0, 96], sizes = [2560, 32], strides = [1, 1]} : vector<2560x128xf32> to vector<2560x32xf32>
    %dot_general3A_74 = arith.constant dense<0.000000e+00> : vector<128x32xf32>
    %dot_general3A_75 = tpu.matmul %convert_element_type3A_72, %slice3A_73, %dot_general3A_74 {dimension_numbers = #tpu.dot_dimension_numbers<[1], [0], [0], [1], [0, 0, 1, 1], [], []>, precision = #tpu.contract_precision<fp32>, transpose_lhs_hint = false} : vector<128x2560xf32>, vector<2560x32xf32>, vector<128x32xf32> -> vector<128x32xf32>
    %add3A_76 = arith.addf %add3A_62, %dot_general3A_75 : vector<128x32xf32>
    %dot_general3A_77 = arith.constant dense<0.000000e+00> : vector<128x1xf32>
    %dot_general3A_78 = tpu.matmul %convert_element_type3A_72, %broadcast_in_dim3A_27, %dot_general3A_77 {dimension_numbers = #tpu.dot_dimension_numbers<[1], [0], [0], [1], [0, 0, 1, 1], [], []>, precision = #tpu.contract_precision<fp32>, transpose_lhs_hint = false} : vector<128x2560xf32>, vector<2560x1xf32>, vector<128x1xf32> -> vector<128x1xf32>
    %add3A_79 = arith.addf %add3A_65, %dot_general3A_78 : vector<128x1xf32>
    %max3A_80 = arith.constant 1.000000e+00 : f32
    %max3A_81 = vector.broadcast %max3A_80 : f32 to vector<128x1xf32>
    %max3A_82 = arith.maximumf %add3A_79, %max3A_81 : vector<128x1xf32>
    %div3A = vector.broadcast %max3A_82 : vector<128x1xf32> to vector<128x32xf32>
    %div3A_83 = arith.divf %add3A_76, %div3A : vector<128x32xf32>
    %get3A_84 = arith.constant 0 : index
    %get3A_85 = arith.constant 0 : index
    %get3A_86 = vector.load %arg5[%get3A_84, %get3A_85] : memref<32x32xf32, #tpu.memory_space<vmem>>, vector<32x32xf32>
    %dot_general3A_87 = arith.constant dense<0.000000e+00> : vector<128x32xf32>
    %dot_general3A_88 = tpu.matmul %div3A_83, %get3A_86, %dot_general3A_87 {dimension_numbers = #tpu.dot_dimension_numbers<[1], [0], [0], [1], [0, 0, 1, 1], [], []>, precision = #tpu.contract_precision<fp32>, transpose_lhs_hint = false} : vector<128x32xf32>, vector<32x32xf32>, vector<128x32xf32> -> vector<128x32xf32>
    %get3A_89 = arith.constant 0 : index
    %get3A_90 = arith.constant 0 : index
    %get3A_91 = vector.load %arg6[%get3A_89, %get3A_90] : memref<1x32xf32, #tpu.memory_space<vmem>>, vector<1x32xf32>
    %add3A_92 = vector.broadcast %get3A_91 : vector<1x32xf32> to vector<128x32xf32>
    %add3A_93 = arith.addf %dot_general3A_88, %add3A_92 : vector<128x32xf32>
    %swap3A = arith.constant 0 : index
    %swap3A_94 = arith.constant 0 : index
    %swap3A_95 = vector.load %arg7[%swap3A, %swap3A_94] : memref<128x32xf32, #tpu.memory_space<vmem>>, vector<128x32xf32>
    tpu.vector_store %arg7[%swap3A, %swap3A_94], %add3A_93 {strides = array<i32>} : memref<128x32xf32, #tpu.memory_space<vmem>>, vector<128x32xf32>,
    return
  }
}

</mosaic_0001>

<sc_bundles>
// kernel: kernel.11.cloned.1.call-start
scs
__scs_entry_jumppad:
0x0: {  	(pc) =	sbr.rel $0x88, $3  }
0x1: {  	(tag) =	ssettag $0x0;
	lr =	simm.s32 $0x1  }
0x2: {  	[smem:$0x3F98] =	sst lr;
	_ =	strace $0xD0000000  }
0x3: {  	_ = 	snop  }
0x4: {  	_ = 	snop  }
0x5: {  	_ = 	snop  }
0x6: {  	_ = 	snop  }
0x7: {  	_ = 	snop  }
__scs_overlays_trampoline_lowered:
0x8: {  	[smem:$0x3FA7] =	sst s0  }
0x9: {  	[smem:$0x3FA8] =	sst s1  }
0xa: {  	[smem:$0x3FA9] =	sst s2  }
0xb: {  	[smem:$0x3FAA] =	sst s3  }
0xc: {  	[smem:$0x3FAB] =	sst s4  }
0xd: {  	[smem:$0x3FAC] =	sst s5  }
0xe: {  	[smem:$0x3FAD] =	sst s6  }
0xf: {  	[smem:$0x3FAE] =	sst s7  }
0x10: {  	[smem:$0x3FAF] =	sst s8  }
0x11: {  	[smem:$0x3FB0] =	sst s9;
	s0 =	simm.s32 @!p0 $0x0  }
0x12: {  	s1 =	sld [smem:$0x3F96];
	s0 =	simm.s32 @p0 $0x1  }
0x13: {  	[smem:$0x3FB1] =	sst s0;
	s0 =	simm.s32 @!p1 $0x0  }
0x14: {  	s2 =	sld [smem:$0x3F95];
	s0 =	simm.s32 @p1 $0x1  }
0x15: {  	[smem:$0x3FB2] =	sst s0;
	s0 =	simm.s32 @!p2 $0x0  }
0x16: {  	s3 =	sld [smem:$0x3FDB];
	s0 =	simm.s32 @p2 $0x1  }
0x17: {  	s4 =	simm.s32 $0x1BF5;
	[smem:$0x3FB4] =	sst s0  }
0x18: {  	s0 =	sld [smem:$0x3F97];
	_ =	swait.ge [sflag:s4], $0x0  }
0x19: {  	s7 =	sld [smem:$0x3F98]  }
0x1a: {  	s8 =	sadd.s32 $0xFFFFE003, lr  }
0x1b: {  	s9 =	sadd.s32 $0xFFFFFEF7, lr;
	s5 =	simm.s32 $0xFFFFFFFF;
	p2 =	slt.u32 s8, $0xFFFFF086  }
0x1c: {  	p1 =	slt.u32 s9, $0xF7A;
	s5 =	simm.s32 @!p2 $0x0  }
0x1d: {  	s5 =	simm.s32 @p1 $0x1;
	p0 =	seq.s32 s7, s2  }
0x1e: {  	s7 =	smul.u32 @!p0 $0xF7A, s2;
	p2 =	seq.s32 @!p0 s5, $0x0  }
0x1f: {  	s9 =	smul.u32 $0xF7A, s1;
	s8 =	simm.s32 @!p0 $0x1BF5;
	p2 =	por !p2, p0  }
0x20: {  	[sflag:s8] =	ssyncset.s32 @!p0 $0xFFFFF086;
	s6 =	sadd.s32 @!p0 s3, s7;
	s7 =	simm.s32 @!p0 $0x108  }
0x21: {  	s3 =	sadd.s32 s3, s9;
	s6 =	sadd.s32 @!p0 $0x88, s6;
	s7 =	simm.s32 @p2 $0x1082  }
0x22: {  	[simem:s7], [sflag:s8] =	dma.local @!p0 [hbm:s6], $0xF7A  }
0x23: {  	s9 =	sor.u32 $0xD0000000, s2;
	s6 =	simm.s32 $0x108;
	_ =	swait.ge @!p0 [sflag:s8], $0x0  }
0x24: {  	s3 =	sadd.s32 $0x88, s3;
	s6 =	simm.s32 @!p1 $0x1082;
	[sflag:s4] =	ssyncset.s32 $0xFFFFF086  }
0x25: {  	[simem:s6], [sflag:s4] =	dma.local [hbm:s3], $0xF7A  }
0x26: {  	[smem:$0x3F98] =	sst s1;
	(tag) =	ssettag s2;
	_ =	strace s9  }
0x27: {  	s1 =	sld [smem:$0x3FA8]  }
0x28: {  	s2 =	sld [smem:$0x3FA9]  }
0x29: {  	s4 =	sld [smem:$0x3FAB]  }
0x2a: {  	p0 =	seq.s32 s5, $0x0;
	s5 =	sld [smem:$0x3FAC]  }
0x2b: {  	s6 =	sld [smem:$0x3FAD]  }
0x2c: {  	s7 =	sld [smem:$0x3FAE]  }
0x2d: {  	s3 =	simm.s32 $0x108;
	s8 =	sld [smem:$0x3FAF]  }
0x2e: {  	s3 =	simm.s32 @!p0 $0x1082;
	s9 =	sld [smem:$0x3FB0]  }
0x2f: {  	lr =	sadd.s32 s0, s3;
	s0 =	sld [smem:$0x3FA7]  }
0x30: {  	s3 =	sld [smem:$0x3FAA]  }
0x31: {  	[smem:$0x3FB3] =	sst s10  }
0x32: {  	s10 =	sld [smem:$0x3FB1];
	_ =	sdelay $0x3  }
0x33: {  	p0 =	seq.s32 s10, $0x1;
	s10 =	sld [smem:$0x3FB3];
	_ =	sdelay $0x3  }
0x34: {  	[smem:$0x3FB3] =	sst s10  }
0x35: {  	s10 =	sld [smem:$0x3FB2];
	_ =	sdelay $0x3  }
0x36: {  	p1 =	seq.s32 s10, $0x1;
	s10 =	sld [smem:$0x3FB3];
	_ =	sdelay $0x3  }
0x37: {  	[smem:$0x3FB3] =	sst s10  }
0x38: {  	s10 =	sld [smem:$0x3FB4]  }
0x39: {  	_ = 	snop;
	(pc) =	sbr.ind lr, $3  }
0x3a: {  	_ = 	snop  }
0x3b: {  	_ = 	snop  }
0x3c: {  	p2 =	seq.s32 s10, $0x1;
	s10 =	sld [smem:$0x3FB3]  }
0x3d: {  	_ =	shalt  }
0x3e: {  	_ =	shalt  }
0x3f: {  	_ =	shalt  }
0x40: {  	_ =	shalt  }
0x41: {  	_ =	shalt  }
0x42: {  	_ =	shalt  }
0x43: {  	_ =	shalt  }
0x44: {  	_ =	shalt  }
0x45: {  	_ =	shalt  }
0x46: {  	_ =	shalt  }
0x47: {  	_ =	shalt  }
0x48: {  	_ =	shalt  }
0x49: {  	_ =	shalt  }
0x4a: {  	_ =	shalt  }
0x4b: {  	_ =	shalt  }
0x4c: {  	_ =	shalt  }
0x4d: {  	_ =	shalt  }
0x4e: {  	_ =	shalt  }
0x4f: {  	_ =	shalt  }
0x50: {  	_ =	shalt  }
0x51: {  	_ =	shalt  }
0x52: {  	_ =	shalt  }
0x53: {  	_ =	shalt  }
0x54: {  	_ =	shalt  }
0x55: {  	_ =	shalt  }
0x56: {  	_ =	shalt  }
0x57: {  	_ =	shalt  }
0x58: {  	_ =	shalt  }
0x59: {  	_ =	shalt  }
0x5a: {  	_ =	shalt  }
0x5b: {  	_ =	shalt  }
0x5c: {  	_ =	shalt  }
0x5d: {  	_ =	shalt  }
0x5e: {  	_ =	shalt  }
0x5f: {  	_ =	shalt  }
0x60: {  	_ =	shalt  }
0x61: {  	_ =	shalt  }
0x62: {  	_ =	shalt  }
0x63: {  	_ =	shalt  }
0x64: {  	_ =	shalt  }
0x65: {  	_ =	shalt  }
0x66: {  	_ =	shalt  }
0x67: {  	_ =	shalt  }
0x68: {  	_ =	shalt  }
0x69: {  	_ =	shalt  }
0x6a: {  	_ =	shalt  }
0x6b: {  	_ =	shalt  }
0x6c: {  	_ =	shalt  }
0x6d: {  	_ =	shalt  }
0x6e: {  	_ =	shalt  }
0x6f: {  	_ =	shalt  }
0x70: {  	_ =	shalt  }
0x71: {  	_ =	shalt  }
0x72: {  	_ =	shalt  }
0x73: {  	_ =	shalt  }
0x74: {  	_ =	shalt  }
0x75: {  	_ =	shalt  }
0x76: {  	_ =	shalt  }
0x77: {  	_ =	shalt  }
0x78: {  	_ =	shalt  }
0x79: {  	_ =	shalt  }
0x7a: {  	_ =	shalt  }
0x7b: {  	_ =	shalt  }
0x7c: {  	_ =	shalt  }
0x7d: {  	_ =	shalt  }
0x7e: {  	_ =	shalt  }
0x7f: {  	_ =	shalt  }
0x80: {  	_ =	shalt  }
0x81: {  	_ =	shalt  }
0x82: {  	_ =	shalt  }
0x83: {  	_ =	shalt  }
0x84: {  	_ =	shalt  }
0x85: {  	_ =	shalt  }
0x86: {  	_ =	shalt  }
0x87: {  	_ =	shalt  }
.Lfunc_end0:
.L_simem_size_0:
called_computation.1_lowered:
.L_overlay_start_0:
0x88: {  	s2 =	sld [smem:$0x3FD9]  }
0x89: {  	s3 =	sld [smem:$0x3FFE];
	_ =	sdelay $0x1  }
0x8a: {  	s1 =	srdreg.scid  }
0x8b: {  	s0 =	sand.u32 $0x1, s1  }
0x8c: {  	s16 =	sshll.u32 s0, $0xA;
	s2 =	sadd.s32 s3, s2  }
0x8d: {  	s2 =	sadd.s32 s2, s16  }
0x8e: {  	[smem:$0x3FBF] =	sst s2  }
0x8f: {  	_ = 	snop  }
0x90: {  	(tm) =	ssettm $0x1  }
0x91: {  	s17 =	sld [smem:$0x3FFB];
	_ =	sdelay $0x3  }
0x92: {  	_ =	strace s17  }
0x93: {  	s2 =	sld [smem:$0x3FFC];
	_ =	sdelay $0x3  }
0x94: {  	_ =	strace s2  }
0x95: {  	s2 =	sld [smem:$0x3FFD];
	_ =	sdelay $0x3  }
0x96: {  	_ =	strace s2  }
0x97: {  	_ =	strace $0x8FFFFFFF  }
0x98: {  	s18 =	sld [smem:$0x3FDB];
	_ =	sdelay $0x1  }
0x99: {  	s19 =	simm.s32 $_scs_section_size  }
0x9a: {  	s4 =	simm.s32 $_size__tile_overlayer_lowered;
	s5 =	simm.s32 $_tile_overlayer_lowered  }
0x9b: {  	s22 =	simm.s32 $0x1BFF;
	s21 =	sshll.u32 s5, $0x1;
	s2 =	sadd.s32 s19, s18  }
0x9c: {  	s6 =	simm.s32 $0x0;
	s20 =	sshll.u32 s4, $0x1;
	s4 =	sadd.s32 s21, s2  }
0x9d: {  	[timem:s6], [sflag:s22] =	dma.local [hbm:s4], s20  }
0x9e: {  	_ =	swait.ge [sflag:s22], s20  }
0x9f: {  	s3 =	ssub.s32 $0x0, s20;
	[sflag:s22] =	ssyncset.done $0x0  }
0xa0: {  	[sflag:s22] =	ssyncadd.s32 s3;
	_ =	sdelay $0x1  }
0xa1: {  	s23 =	simm.s32 $0x1B8B  }
0xa2: {  	_ =	swait.ge [sflag:s23], $0x1  }
0xa3: {  	[sflag:s23] =	ssyncset.done $0x0  }
0xa4: {  	s25 =	simm.s32 $0x1B8E;
	s24 =	sld [smem:$0x3FFE];
	[sflag:s23] =	ssyncadd.s32 $0xFFFFFFFF  }
0xa5: {  	s26 =	simm.s32 $execute0_lowered;
	[smem:$0x3FD2] =	sst s25  }
0xa6: {  	s4 =	sshll.u32 s26, $0x1;
	_ =	strace $0x80000049;
	[dreg:$0x1] =	wrdreg $0xFFFFFFFF  }
0xa7: {  	s28 =	simm.s32 $_size_execute0_lowered;
	s2 =	sadd.s32 s2, s4;
	[dreg:$0x0] =	wrdreg $0x0  }
0xa8: {  	s4 =	sshll.u32 s28, $0x1;
	[dreg:$0x2] =	wrdreg s2  }
0xa9: {  	[dreg:$0x3] =	wrdreg s4  }
0xaa: {  	[dreg:$0x4] =	wrdreg $0xC0  }
0xab: {  	_ =	task [dreg:s6], $0x5FFFF  }
0xac: {  	[dreg:$0x1] =	wrdreg $0xFFFFFFFF  }
0xad: {  	[dreg:$0x0] =	wrdreg $0x60  }
0xae: {  	[dreg:$0x2] =	wrdreg s24  }
0xaf: {  	[dreg:$0x3] =	wrdreg $0x0  }
0xb0: {  	[dreg:$0x4] =	wrdreg $0x50000  }
0xb1: {  	[dreg:$0x5] =	wrdreg $0x9  }
0xb2: {  	_ =	task.clear_ibuf [dreg:s6], $0x6FFFF;
	_ =	strace $0x90000049  }
0xb3: {  	s29 =	simm.s32 $0x9;
	_ =	strace $0x8000004B  }
0xb4: {  	_ =	swait.ge [sflag:s29], $0x1  }
0xb5: {  	[sflag:s29] =	ssyncadd.s32 $0xFFFFFFFF  }
0xb6: {  	_ =	strace $0x9000004B  }
0xb7: {  	_ =	sfence  }
0xb8: {  	s30 =	sld [smem:$0x0];
	_ =	sdelay $0x2  }
0xb9: {  	s31 =	sshll.u32 s1, $0xD;
	s1 =	sshrl.u32 s1, $0x2  }
0xba: {  	s3 =	sand.u32 $0x4000, s31;
	s1 =	sadd.s32 s1, s30  }
0xbb: {  	s0 =	sor.u32 s3, s0;
	s1 =	sshll.u32 s1, $0x11  }
0xbc: {  	s0 =	sor.u32 s1, s0  }
0xbd: {  	s0 =	sadd.s32 $0x8F2B, s0  }
0xbe: {  	[sflag:s0] =	ssyncadd.remote.s32 $0x1  }
0xbf: {  	_ =	sfence.sel $0xFFFF  }
0xc0: {  	[dreg:$0x0] =	wrdreg $0xFFFFFFFF;
	(pc) =	sbr.abs _section_cstart, $3  }
0xc1: {  	[dreg:$0x1] =	wrdreg $0xFFFFFFFF  }
0xc2: {  	_ =	task.clear_ibuf [dreg:s6], $0x2FFFF;
	_ =	strace $0x9FFFFFFF  }
0xc3: {  	(tm) =	ssettm $0x7FFFFFFF  }
tec
execute0_lowered:
.L_overlay_start_1:
0x0: {  	(tag) =	ssettag $0x1  }
0x1: {  	s5 =	rddreg [dreg:$0x0]  }
0x2: {  	s0 =	srdreg.scid;
	s2 =	rddreg [dreg:$0x1]  }
0x3: {  	s4 =	stileid.u32;
	s3 =	rddreg [dreg:$0x2]  }
0x4: {  	s13 =	simm.s32 $0xA000;
	s14 =	simm.s32 $0x9;
	s15 =	simm.s32 $0xF000  }
0x5: {  	s16 =	simm.s32 $0x11800;
	s17 =	simm.s32 $0x80;
	s18 =	simm.s32 $0x14000  }
0x6: {  	s20 =	simm.s32 $0x15000;
	s21 =	simm.s32 $0x1;
	s23 =	simm.s32 $0x16000  }
0x7: {  	s24 =	simm.s32 $0x2;
	s28 =	simm.s32 $0x17000;
	s29 =	simm.s32 $0x3  }
0x8: {  	s30 =	simm.s32 $0x5;
	s31 =	simm.s32 $0x4;
	s19 =	simm.s32 $0x8  }
0x9: {  	s0 =	sand.u32 $0x1, s0;
	s1 =	sshll.u32 s4, $0x1;
	s8 =	smul.u32 $0x5000, s4  }
0xa: {  	s4 =	simm.s32 $0x0;
	s1 =	sor.u32 s0, s1;
	s6 =	smul.u32 $0x50000, s0  }
0xb: {  	[smem:$0x7FF] =	sst s4;
	s0 =	ssub.s32 $0x2, s0;
	s1 =	smul.u32 $0x500, s1  }
0xc: {  	_ =	strace $0x8000004A;
	s7 =	sshrl.u32 s8, $0x3;
	s25 =	sshrl.u32 s0, $0x1  }
0xd: {  	s6 =	sadd.s32 s8, s6;
	s7 =	sadd.s32 s7, s5;
	s0 =	ssub.s32 s0, s25  }
0xe: {  	s1 =	sadd.s32 s1, s5;
	s6 =	sshrl.u32 s6, $0x3;
	s26 =	sadd.s32 $0x16A00, s7  }
0xf: {  	s7 =	sadd.s32 $0xCA00, s7;
	s12 =	smax.u32 s0, $0x1;
	s0 =	simm.s32 $0x7  }
0x10: {  	s11 =	sadd.s32 s6, s5;
	[dreg:$0x4] =	wrdreg s26;
	s6 =	sadd.s32 s8, s2  }
0x11: {  	s8 =	sadd.s32 s8, s3;
	s9 =	sadd.s32 $0x2AA00, s1;
	s10 =	sadd.s32 $0x2A00, s1  }
0x12: {  	s1 =	simm.s32 $0x6;
	s26 =	simm.s32 $0x0;
	s11 =	sadd.s32 $0x34A00, s11  }
.LBB2_1:
0x13: {  	s5 =	rddreg [dreg:$0x4]  }
0x14: {  	[tilespmem:s13], [sflag:$0x9] =	stream.linear.gather [hbm4b:s5+s4], $0x5000, $0x38;
	[tilespmem:$0x18000] =	vst v63  }
0x15: {  	_ =	swait.ge [sflag:s14], $0x5000  }
0x16: {  	[sflag:s14] =	ssyncset.done $0x0  }
0x17: {  	[sflag:s14] =	ssyncadd.s32 $0xFFFFB000  }
0x18: {  	[spmem:s6] =	stream.linear.scatter [tilespmem:s13], [sflag:$0x9], $0x5000, $0x38;
	[tilespmem:$0x18000] =	vst v63  }
0x19: {  	_ =	swait.ge [sflag:s14], $0x5000  }
0x1a: {  	[sflag:s14] =	ssyncset.done $0x0  }
0x1b: {  	[sflag:s14] =	ssyncadd.s32 $0xFFFFB000  }
0x1c: {  	[tilespmem:s13], [sflag:$0x9] =	stream.linear.gather [hbm4b:s7+s4], $0x5000, $0x38;
	[tilespmem:$0x18000] =	vst v63  }
0x1d: {  	_ =	swait.ge [sflag:s14], $0x5000  }
0x1e: {  	[sflag:s14] =	ssyncset.done $0x0  }
0x1f: {  	[sflag:s14] =	ssyncadd.s32 $0xFFFFB000  }
0x20: {  	[spmem:s8] =	stream.linear.scatter [tilespmem:s13], [sflag:$0x9], $0x5000, $0x38;
	[tilespmem:$0x18000] =	vst v63  }
0x21: {  	_ =	swait.ge [sflag:s14], $0x5000  }
0x22: {  	[sflag:s14] =	ssyncset.done $0x0  }
0x23: {  	[sflag:s14] =	ssyncadd.s32 $0xFFFFB000  }
0x24: {  	[tilespmem:s15], [sflag:$0x9] =	stream.linear.gather [hbm4b:s9+s4], $0x2800, $0x38;
	[tilespmem:$0x18000] =	vst v63  }
0x25: {  	_ =	swait.ge [sflag:s14], $0x2800  }
0x26: {  	[sflag:s14] =	ssyncset.done $0x0  }
0x27: {  	[sflag:s14] =	ssyncadd.s32 $0xFFFFD800  }
0x28: {  	[tilespmem:s16], [sflag:$0x9] =	stream.linear.gather [hbm4b:s10+s4], $0x2800, $0x38;
	[tilespmem:$0x18000] =	vst v63  }
0x29: {  	_ =	swait.ge [sflag:s14], $0x2800  }
0x2a: {  	[sflag:s14] =	ssyncset.done $0x0  }
0x2b: {  	[sflag:s14] =	ssyncadd.s32 $0xFFFFD800  }
0x2c: {  	[bflag:$0x0] =	sbarrier.arrive $0xFFFF  }
0x2d: {  	[tilespmem:s18], [sflag:$0x1] =	stream.indirect.gather [spmem:s2], $0x20, s15, s17, $0xb8;
	[tilespmem:$0x18000] =	vst v63  }
0x2e: {  	s22 =	simm.s32 $0xF080  }
0x2f: {  	[tilespmem:s20], [sflag:$0x2] =	stream.indirect.gather [spmem:s2], $0x20, s22, s17, $0xb8;
	[tilespmem:$0x18000] =	vst v63  }
0x30: {  	_ =	swait.ge [sflag:s21], $0x1000  }
0x31: {  	[sflag:s21] =	ssyncset.done $0x0  }
0x32: {  	[sflag:s21] =	ssyncadd.s32 $0xFFFFF000  }
0x33: {  	[spmem:s3] =	stream.indirect.scatter.add.f32 [tilespmem:s18], [sflag:$0x5], $0x20, s16, s17, $0xb8;
	[tilespmem:$0x18000] =	vst v63  }
0x34: {  	s25 =	simm.s32 $0xF100  }
0x35: {  	[tilespmem:s23], [sflag:$0x3] =	stream.indirect.gather [spmem:s2], $0x20, s25, s17, $0xb8;
	[tilespmem:$0x18000] =	vst v63  }
0x36: {  	_ =	swait.ge [sflag:s24], $0x1000  }
0x37: {  	[sflag:s24] =	ssyncset.done $0x0  }
0x38: {  	s22 =	simm.s32 $0x11880;
	[sflag:s24] =	ssyncadd.s32 $0xFFFFF000  }
0x39: {  	[spmem:s3] =	stream.indirect.scatter.add.f32 [tilespmem:s20], [sflag:$0x6], $0x20, s22, s17, $0xb8;
	[tilespmem:$0x18000] =	vst v63  }
0x3a: {  	s25 =	simm.s32 $0xF180  }
0x3b: {  	[tilespmem:s28], [sflag:$0x4] =	stream.indirect.gather [spmem:s2], $0x20, s25, s17, $0xb8;
	[tilespmem:$0x18000] =	vst v63  }
0x3c: {  	_ =	swait.ge [sflag:s29], $0x1000  }
0x3d: {  	[sflag:s29] =	ssyncset.done $0x0  }
0x3e: {  	s22 =	simm.s32 $0x11900;
	[sflag:s29] =	ssyncadd.s32 $0xFFFFF000  }
0x3f: {  	[spmem:s3] =	stream.indirect.scatter.add.f32 [tilespmem:s23], [sflag:$0x7], $0x20, s22, s17, $0xb8;
	[tilespmem:$0x18000] =	vst v63  }
0x40: {  	_ =	swait.ge [sflag:s30], $0x1000  }
0x41: {  	[sflag:s30] =	ssyncset.done $0x0  }
0x42: {  	s5 =	simm.s32 $0xF200;
	[sflag:s30] =	ssyncadd.s32 $0xFFFFF000  }
0x43: {  	[tilespmem:s18], [sflag:$0x1] =	stream.indirect.gather [spmem:s2], $0x20, s5, s17, $0xb8;
	[tilespmem:$0x18000] =	vst v63  }
0x44: {  	_ =	swait.ge [sflag:s31], $0x1000  }
0x45: {  	[sflag:s31] =	ssyncset.done $0x0  }
0x46: {  	s25 =	simm.s32 $0x11980;
	[sflag:s31] =	ssyncadd.s32 $0xFFFFF000  }
0x47: {  	[spmem:s3] =	stream.indirect.scatter.add.f32 [tilespmem:s28], [sflag:$0x8], $0x20, s25, s17, $0xb8;
	[tilespmem:$0x18000] =	vst v63  }
0x48: {  	_ =	swait.ge [sflag:s1], $0x1000  }
0x49: {  	[sflag:s1] =	ssyncset.done $0x0  }
0x4a: {  	s5 =	simm.s32 $0xF280;
	[sflag:s1] =	ssyncadd.s32 $0xFFFFF000  }
0x4b: {  	[tilespmem:s20], [sflag:$0x2] =	stream.indirect.gather [spmem:s2], $0x20, s5, s17, $0xb8;
	[tilespmem:$0x18000] =	vst v63  }
0x4c: {  	_ =	swait.ge [sflag:s21], $0x1000  }
0x4d: {  	[sflag:s21] =	ssyncset.done $0x0  }
0x4e: {  	s25 =	simm.s32 $0x11A00;
	[sflag:s21] =	ssyncadd.s32 $0xFFFFF000  }
0x4f: {  	[spmem:s3] =	stream.indirect.scatter.add.f32 [tilespmem:s18], [sflag:$0x5], $0x20, s25, s17, $0xb8;
	[tilespmem:$0x18000] =	vst v63  }
0x50: {  	_ =	swait.ge [sflag:s0], $0x1000  }
0x51: {  	[sflag:s0] =	ssyncset.done $0x0  }
0x52: {  	s5 =	simm.s32 $0xF300;
	[sflag:s0] =	ssyncadd.s32 $0xFFFFF000  }
0x53: {  	[tilespmem:s23], [sflag:$0x3] =	stream.indirect.gather [spmem:s2], $0x20, s5, s17, $0xb8;
	[tilespmem:$0x18000] =	vst v63  }
0x54: {  	_ =	swait.ge [sflag:s24], $0x1000  }
0x55: {  	[sflag:s24] =	ssyncset.done $0x0  }
0x56: {  	s25 =	simm.s32 $0x11A80;
	[sflag:s24] =	ssyncadd.s32 $0xFFFFF000  }
0x57: {  	[spmem:s3] =	stream.indirect.scatter.add.f32 [tilespmem:s20], [sflag:$0x6], $0x20, s25, s17, $0xb8;
	[tilespmem:$0x18000] =	vst v63  }
0x58: {  	_ =	swait.ge [sflag:s19], $0x1000  }
0x59: {  	[sflag:s19] =	ssyncset.done $0x0  }
0x5a: {  	s22 =	simm.s32 $0x800;
	s25 =	simm.s32 $0xF380;
	[sflag:s19] =	ssyncadd.s32 $0xFFFFF000  }
.LBB2_2:
0x5b: {  	[tilespmem:s28], [sflag:$0x4] =	stream.indirect.gather [spmem:s2], $0x20, s25, s17, $0xb8;
	[tilespmem:$0x18000] =	vst v63  }
0x5c: {  	s25 =	smov.u32 s22  }
0x5d: {  	p0 =	sne.s32 s22, $0x9000;
	s22 =	sadd.s32 $0x800, s22;
	_ =	swait.ge [sflag:s29], $0x1000  }
0x5e: {  	s25 =	sshra.s32 s25, $0x2;
	[sflag:s29] =	ssyncset.done $0x0  }
0x5f: {  	s5 =	sadd.s32 $0x11900, s25;
	[sflag:s29] =	ssyncadd.s32 $0xFFFFF000  }
0x60: {  	[spmem:s3] =	stream.indirect.scatter.add.f32 [tilespmem:s23], [sflag:$0x7], $0x20, s5, s17, $0xb8;
	[tilespmem:$0x18000] =	vst v63  }
0x61: {  	_ =	swait.ge [sflag:s30], $0x1000  }
0x62: {  	[sflag:s30] =	ssyncset.done $0x0  }
0x63: {  	s5 =	sadd.s32 $0xF200, s25;
	[sflag:s30] =	ssyncadd.s32 $0xFFFFF000  }
0x64: {  	[tilespmem:s18], [sflag:$0x1] =	stream.indirect.gather [spmem:s2], $0x20, s5, s17, $0xb8;
	[tilespmem:$0x18000] =	vst v63  }
0x65: {  	_ =	swait.ge [sflag:s31], $0x1000  }
0x66: {  	[sflag:s31] =	ssyncset.done $0x0  }
0x67: {  	s5 =	sadd.s32 $0x11980, s25;
	[sflag:s31] =	ssyncadd.s32 $0xFFFFF000  }
0x68: {  	[spmem:s3] =	stream.indirect.scatter.add.f32 [tilespmem:s28], [sflag:$0x8], $0x20, s5, s17, $0xb8;
	[tilespmem:$0x18000] =	vst v63  }
0x69: {  	_ =	swait.ge [sflag:s1], $0x1000  }
0x6a: {  	[sflag:s1] =	ssyncset.done $0x0  }
0x6b: {  	s5 =	sadd.s32 $0xF280, s25;
	[sflag:s1] =	ssyncadd.s32 $0xFFFFF000  }
0x6c: {  	[tilespmem:s20], [sflag:$0x2] =	stream.indirect.gather [spmem:s2], $0x20, s5, s17, $0xb8;
	[tilespmem:$0x18000] =	vst v63  }
0x6d: {  	_ =	swait.ge [sflag:s21], $0x1000  }
0x6e: {  	[sflag:s21] =	ssyncset.done $0x0  }
0x6f: {  	s5 =	sadd.s32 $0x11A00, s25;
	[sflag:s21] =	ssyncadd.s32 $0xFFFFF000  }
0x70: {  	[spmem:s3] =	stream.indirect.scatter.add.f32 [tilespmem:s18], [sflag:$0x5], $0x20, s5, s17, $0xb8;
	[tilespmem:$0x18000] =	vst v63  }
0x71: {  	_ =	swait.ge [sflag:s0], $0x1000  }
0x72: {  	[sflag:s0] =	ssyncset.done $0x0  }
0x73: {  	s5 =	sadd.s32 $0xF300, s25;
	[sflag:s0] =	ssyncadd.s32 $0xFFFFF000  }
0x74: {  	[tilespmem:s23], [sflag:$0x3] =	stream.indirect.gather [spmem:s2], $0x20, s5, s17, $0xb8;
	[tilespmem:$0x18000] =	vst v63  }
0x75: {  	_ =	swait.ge [sflag:s24], $0x1000  }
0x76: {  	[sflag:s24] =	ssyncset.done $0x0  }
.Ltmp0:
0x77: {  	s5 =	sadd.s32 $0x11A80, s25;
	[sflag:s24] =	ssyncadd.s32 $0xFFFFF000;
	(pc) =	sbr.rel @p0 .LBB2_2-.Ltmp0, $4  }
0x78: {  	[spmem:s3] =	stream.indirect.scatter.add.f32 [tilespmem:s20], [sflag:$0x6], $0x20, s5, s17, $0xb8;
	[tilespmem:$0x18000] =	vst v63  }
0x79: {  	_ =	swait.ge [sflag:s19], $0x1000  }
0x7a: {  	[sflag:s19] =	ssyncset.done $0x0  }
0x7b: {  	s25 =	sadd.s32 $0xF380, s25;
	[sflag:s19] =	ssyncadd.s32 $0xFFFFF000  }
0x7c: {  	[tilespmem:s28], [sflag:$0x4] =	stream.indirect.gather [spmem:s2], $0x20, s25, s17, $0xb8;
	[tilespmem:$0x18000] =	vst v63  }
0x7d: {  	_ =	swait.ge [sflag:s29], $0x1000  }
0x7e: {  	[sflag:s29] =	ssyncset.done $0x0  }
0x7f: {  	s5 =	simm.s32 $0x13F00;
	[sflag:s29] =	ssyncadd.s32 $0xFFFFF000  }
0x80: {  	[spmem:s3] =	stream.indirect.scatter.add.f32 [tilespmem:s23], [sflag:$0x7], $0x20, s5, s17, $0xb8;
	[tilespmem:$0x18000] =	vst v63  }
0x81: {  	_ =	swait.ge [sflag:s30], $0x1000  }
0x82: {  	[sflag:s30] =	ssyncset.done $0x0  }
0x83: {  	[sflag:s30] =	ssyncadd.s32 $0xFFFFF000  }
0x84: {  	_ =	swait.ge [sflag:s31], $0x1000  }
0x85: {  	[sflag:s31] =	ssyncset.done $0x0  }
0x86: {  	s25 =	simm.s32 $0x13F80;
	[sflag:s31] =	ssyncadd.s32 $0xFFFFF000  }
0x87: {  	[spmem:s3] =	stream.indirect.scatter.add.f32 [tilespmem:s28], [sflag:$0x8], $0x20, s25, s17, $0xb8;
	[tilespmem:$0x18000] =	vst v63  }
0x88: {  	_ =	swait.ge [sflag:s1], $0x1000  }
0x89: {  	[sflag:s1] =	ssyncset.done $0x0  }
0x8a: {  	[sflag:s1] =	ssyncadd.s32 $0xFFFFF000  }
0x8b: {  	_ =	swait.ge [sflag:s0], $0x1000  }
0x8c: {  	[sflag:s0] =	ssyncset.done $0x0  }
0x8d: {  	[sflag:s0] =	ssyncadd.s32 $0xFFFFF000  }
0x8e: {  	_ =	swait.ge [sflag:s19], $0x1000  }
0x8f: {  	[sflag:s19] =	ssyncset.done $0x0  }
0x90: {  	[sflag:s19] =	ssyncadd.s32 $0xFFFFF000  }
0x91: {  	[bflag:$0x0] =	sbarrier.arrive $0xFFFF  }
0x92: {  	[tilespmem:s13], [sflag:$0x9] =	stream.linear.gather [spmem:s8], $0x5000, $0x38;
	[tilespmem:$0x18000] =	vst v63  }
0x93: {  	s26 =	sadd.s32 $0x1, s26;
	_ =	swait.ge [sflag:s14], $0x5000  }
0x94: {  	p0 =	sne.s32 s26, s12;
	[sflag:s14] =	ssyncset.done $0x0  }
.Ltmp1:
0x95: {  	[sflag:s14] =	ssyncadd.s32 $0xFFFFB000;
	(pc) =	sbr.rel @p0 .LBB2_1-.Ltmp1, $4  }
0x96: {  	[hbm4b:s11+s4] =	stream.linear.scatter [tilespmem:s13], [sflag:$0x9], $0x5000, $0x38;
	[tilespmem:$0x18000] =	vst v63  }
0x97: {  	_ =	swait.ge [sflag:s14], $0x5000  }
0x98: {  	[sflag:s14] =	ssyncset.done $0x0  }
0x99: {  	[sflag:s14] =	ssyncadd.s32 $0xFFFFB000  }
0x9a: {  	_ =	sfence.sel $0x180000  }
0x9b: {  	[bflag:$0x0] =	sbarrier.arrive $0xFFFF  }
0x9c: {  	_ =	strace $0x9000004A  }
0x9d: {  	s0 =	stileid.u32;
	[bflag:$0x2] =	sbarrier.arrive $0xFFFF  }
0x9e: {  	p0 =	sne.s32 s0, $0x0;
	s0 =	rddreg [dreg:$0x3]  }
0x9f: {  	s0 =	sadd.s32 @!p0 $0x100000, s0  }
0xa0: {  	[sflag:s0] =	ssyncadd.tile.s32 @!p0 $0x1;
	_ =	shalt  }
.Lfunc_end2:
_tile_overlayer_lowered:
.L_overlay_start_2:
0xa1: {  	(tag) =	ssettag $0x2  }
0xa2: {  	s0 =	rddreg [dreg:$0x0];
	s2 =	stileid.u32  }
0xa3: {  	s1 =	rddreg [dreg:$0x1];
	p0 =	sne.s32 s2, $0x0  }
0xa4: {  	s3 =	rddreg [dreg:$0x2];
	[bflag:$0x3] =	sbarrier.arrive $0xFFFF;
	s2 =	simm.s32 @!p0 $0x1C09  }
0xa5: {  	[timem:s3], [sflag:s2] =	dma.local @!p0 [hbm:s0], s1  }
0xa6: {  	s0 =	simm.s32 @!p0 $0x9  }
0xa7: {  	_ =	swait.ge @!p0 [sflag:s0], s1  }
0xa8: {  	s1 =	ssub.s32 @!p0 $0x0, s1;
	[sflag:s0] =	ssyncset.done @!p0 $0x0  }
0xa9: {  	[sflag:s0] =	ssyncadd.s32 @!p0 s1  }
0xaa: {  	[bflag:$0x3] =	sbarrier.arrive $0xFFFF  }
0xab: {  	_ =	shalt  }

// kernel: kernel.14.cloned.1.call-start
scs
__scs_entry_jumppad:
0x0: {  	(pc) =	sbr.rel $0x88, $3  }
0x1: {  	(tag) =	ssettag $0x0;
	lr =	simm.s32 $0x1  }
0x2: {  	[smem:$0x3F98] =	sst lr;
	_ =	strace $0xD0000000  }
0x3: {  	_ = 	snop  }
0x4: {  	_ = 	snop  }
0x5: {  	_ = 	snop  }
0x6: {  	_ = 	snop  }
0x7: {  	_ = 	snop  }
__scs_overlays_trampoline_lowered:
0x8: {  	[smem:$0x3FA7] =	sst s0  }
0x9: {  	[smem:$0x3FA8] =	sst s1  }
0xa: {  	[smem:$0x3FA9] =	sst s2  }
0xb: {  	[smem:$0x3FAA] =	sst s3  }
0xc: {  	[smem:$0x3FAB] =	sst s4  }
0xd: {  	[smem:$0x3FAC] =	sst s5  }
0xe: {  	[smem:$0x3FAD] =	sst s6  }
0xf: {  	[smem:$0x3FAE] =	sst s7  }
0x10: {  	[smem:$0x3FAF] =	sst s8  }
0x11: {  	[smem:$0x3FB0] =	sst s9;
	s0 =	simm.s32 @!p0 $0x0  }
0x12: {  	s1 =	sld [smem:$0x3F96];
	s0 =	simm.s32 @p0 $0x1  }
0x13: {  	[smem:$0x3FB1] =	sst s0;
	s0 =	simm.s32 @!p1 $0x0  }
0x14: {  	s2 =	sld [smem:$0x3F95];
	s0 =	simm.s32 @p1 $0x1  }
0x15: {  	[smem:$0x3FB2] =	sst s0;
	s0 =	simm.s32 @!p2 $0x0  }
0x16: {  	s3 =	sld [smem:$0x3FDB];
	s0 =	simm.s32 @p2 $0x1  }
0x17: {  	s4 =	simm.s32 $0x1BF5;
	[smem:$0x3FB4] =	sst s0  }
0x18: {  	s0 =	sld [smem:$0x3F97];
	_ =	swait.ge [sflag:s4], $0x0  }
0x19: {  	s7 =	sld [smem:$0x3F98]  }
0x1a: {  	s8 =	sadd.s32 $0xFFFFE003, lr  }
0x1b: {  	s9 =	sadd.s32 $0xFFFFFEF7, lr;
	s5 =	simm.s32 $0xFFFFFFFF;
	p2 =	slt.u32 s8, $0xFFFFF086  }
0x1c: {  	p1 =	slt.u32 s9, $0xF7A;
	s5 =	simm.s32 @!p2 $0x0  }
0x1d: {  	s5 =	simm.s32 @p1 $0x1;
	p0 =	seq.s32 s7, s2  }
0x1e: {  	s7 =	smul.u32 @!p0 $0xF7A, s2;
	p2 =	seq.s32 @!p0 s5, $0x0  }
0x1f: {  	s9 =	smul.u32 $0xF7A, s1;
	s8 =	simm.s32 @!p0 $0x1BF5;
	p2 =	por !p2, p0  }
0x20: {  	[sflag:s8] =	ssyncset.s32 @!p0 $0xFFFFF086;
	s6 =	sadd.s32 @!p0 s3, s7;
	s7 =	simm.s32 @!p0 $0x108  }
0x21: {  	s3 =	sadd.s32 s3, s9;
	s6 =	sadd.s32 @!p0 $0x88, s6;
	s7 =	simm.s32 @p2 $0x1082  }
0x22: {  	[simem:s7], [sflag:s8] =	dma.local @!p0 [hbm:s6], $0xF7A  }
0x23: {  	s9 =	sor.u32 $0xD0000000, s2;
	s6 =	simm.s32 $0x108;
	_ =	swait.ge @!p0 [sflag:s8], $0x0  }
0x24: {  	s3 =	sadd.s32 $0x88, s3;
	s6 =	simm.s32 @!p1 $0x1082;
	[sflag:s4] =	ssyncset.s32 $0xFFFFF086  }
0x25: {  	[simem:s6], [sflag:s4] =	dma.local [hbm:s3], $0xF7A  }
0x26: {  	[smem:$0x3F98] =	sst s1;
	(tag) =	ssettag s2;
	_ =	strace s9  }
0x27: {  	s1 =	sld [smem:$0x3FA8]  }
0x28: {  	s2 =	sld [smem:$0x3FA9]  }
0x29: {  	s4 =	sld [smem:$0x3FAB]  }
0x2a: {  	p0 =	seq.s32 s5, $0x0;
	s5 =	sld [smem:$0x3FAC]  }
0x2b: {  	s6 =	sld [smem:$0x3FAD]  }
0x2c: {  	s7 =	sld [smem:$0x3FAE]  }
0x2d: {  	s3 =	simm.s32 $0x108;
	s8 =	sld [smem:$0x3FAF]  }
0x2e: {  	s3 =	simm.s32 @!p0 $0x1082;
	s9 =	sld [smem:$0x3FB0]  }
0x2f: {  	lr =	sadd.s32 s0, s3;
	s0 =	sld [smem:$0x3FA7]  }
0x30: {  	s3 =	sld [smem:$0x3FAA]  }
0x31: {  	[smem:$0x3FB3] =	sst s10  }
0x32: {  	s10 =	sld [smem:$0x3FB1];
	_ =	sdelay $0x3  }
0x33: {  	p0 =	seq.s32 s10, $0x1;
	s10 =	sld [smem:$0x3FB3];
	_ =	sdelay $0x3  }
0x34: {  	[smem:$0x3FB3] =	sst s10  }
0x35: {  	s10 =	sld [smem:$0x3FB2];
	_ =	sdelay $0x3  }
0x36: {  	p1 =	seq.s32 s10, $0x1;
	s10 =	sld [smem:$0x3FB3];
	_ =	sdelay $0x3  }
0x37: {  	[smem:$0x3FB3] =	sst s10  }
0x38: {  	s10 =	sld [smem:$0x3FB4]  }
0x39: {  	_ = 	snop;
	(pc) =	sbr.ind lr, $3  }
0x3a: {  	_ = 	snop  }
0x3b: {  	_ = 	snop  }
0x3c: {  	p2 =	seq.s32 s10, $0x1;
	s10 =	sld [smem:$0x3FB3]  }
0x3d: {  	_ =	shalt  }
0x3e: {  	_ =	shalt  }
0x3f: {  	_ =	shalt  }
0x40: {  	_ =	shalt  }
0x41: {  	_ =	shalt  }
0x42: {  	_ =	shalt  }
0x43: {  	_ =	shalt  }
0x44: {  	_ =	shalt  }
0x45: {  	_ =	shalt  }
0x46: {  	_ =	shalt  }
0x47: {  	_ =	shalt  }
0x48: {  	_ =	shalt  }
0x49: {  	_ =	shalt  }
0x4a: {  	_ =	shalt  }
0x4b: {  	_ =	shalt  }
0x4c: {  	_ =	shalt  }
0x4d: {  	_ =	shalt  }
0x4e: {  	_ =	shalt  }
0x4f: {  	_ =	shalt  }
0x50: {  	_ =	shalt  }
0x51: {  	_ =	shalt  }
0x52: {  	_ =	shalt  }
0x53: {  	_ =	shalt  }
0x54: {  	_ =	shalt  }
0x55: {  	_ =	shalt  }
0x56: {  	_ =	shalt  }
0x57: {  	_ =	shalt  }
0x58: {  	_ =	shalt  }
0x59: {  	_ =	shalt  }
0x5a: {  	_ =	shalt  }
0x5b: {  	_ =	shalt  }
0x5c: {  	_ =	shalt  }
0x5d: {  	_ =	shalt  }
0x5e: {  	_ =	shalt  }
0x5f: {  	_ =	shalt  }
0x60: {  	_ =	shalt  }
0x61: {  	_ =	shalt  }
0x62: {  	_ =	shalt  }
0x63: {  	_ =	shalt  }
0x64: {  	_ =	shalt  }
0x65: {  	_ =	shalt  }
0x66: {  	_ =	shalt  }
0x67: {  	_ =	shalt  }
0x68: {  	_ =	shalt  }
0x69: {  	_ =	shalt  }
0x6a: {  	_ =	shalt  }
0x6b: {  	_ =	shalt  }
0x6c: {  	_ =	shalt  }
0x6d: {  	_ =	shalt  }
0x6e: {  	_ =	shalt  }
0x6f: {  	_ =	shalt  }
0x70: {  	_ =	shalt  }
0x71: {  	_ =	shalt  }
0x72: {  	_ =	shalt  }
0x73: {  	_ =	shalt  }
0x74: {  	_ =	shalt  }
0x75: {  	_ =	shalt  }
0x76: {  	_ =	shalt  }
0x77: {  	_ =	shalt  }
0x78: {  	_ =	shalt  }
0x79: {  	_ =	shalt  }
0x7a: {  	_ =	shalt  }
0x7b: {  	_ =	shalt  }
0x7c: {  	_ =	shalt  }
0x7d: {  	_ =	shalt  }
0x7e: {  	_ =	shalt  }
0x7f: {  	_ =	shalt  }
0x80: {  	_ =	shalt  }
0x81: {  	_ =	shalt  }
0x82: {  	_ =	shalt  }
0x83: {  	_ =	shalt  }
0x84: {  	_ =	shalt  }
0x85: {  	_ =	shalt  }
0x86: {  	_ =	shalt  }
0x87: {  	_ =	shalt  }
.Lfunc_end0:
.L_simem_size_0:
called_computation.2_lowered:
.L_overlay_start_0:
0x88: {  	s2 =	sld [smem:$0x3FD9]  }
0x89: {  	s3 =	sld [smem:$0x3FFE];
	_ =	sdelay $0x1  }
0x8a: {  	s1 =	srdreg.scid  }
0x8b: {  	s0 =	sand.u32 $0x1, s1  }
0x8c: {  	s16 =	sshll.u32 s0, $0xA;
	s2 =	sadd.s32 s3, s2  }
0x8d: {  	s2 =	sadd.s32 s2, s16  }
0x8e: {  	[smem:$0x3FBF] =	sst s2  }
0x8f: {  	_ = 	snop  }
0x90: {  	(tm) =	ssettm $0x1  }
0x91: {  	s17 =	sld [smem:$0x3FFB];
	_ =	sdelay $0x3  }
0x92: {  	_ =	strace s17  }
0x93: {  	s2 =	sld [smem:$0x3FFC];
	_ =	sdelay $0x3  }
0x94: {  	_ =	strace s2  }
0x95: {  	s2 =	sld [smem:$0x3FFD];
	_ =	sdelay $0x3  }
0x96: {  	_ =	strace s2  }
0x97: {  	_ =	strace $0x8FFFFFFF  }
0x98: {  	s18 =	sld [smem:$0x3FDB];
	_ =	sdelay $0x1  }
0x99: {  	s19 =	simm.s32 $_scs_section_size  }
0x9a: {  	s4 =	simm.s32 $_size__tile_overlayer_lowered;
	s5 =	simm.s32 $_tile_overlayer_lowered  }
0x9b: {  	s22 =	simm.s32 $0x1BFF;
	s21 =	sshll.u32 s5, $0x1;
	s2 =	sadd.s32 s19, s18  }
0x9c: {  	s6 =	simm.s32 $0x0;
	s20 =	sshll.u32 s4, $0x1;
	s4 =	sadd.s32 s21, s2  }
0x9d: {  	[timem:s6], [sflag:s22] =	dma.local [hbm:s4], s20  }
0x9e: {  	_ =	swait.ge [sflag:s22], s20  }
0x9f: {  	s3 =	ssub.s32 $0x0, s20;
	[sflag:s22] =	ssyncset.done $0x0  }
0xa0: {  	[sflag:s22] =	ssyncadd.s32 s3;
	_ =	sdelay $0x1  }
0xa1: {  	s23 =	simm.s32 $0x1B8B  }
0xa2: {  	_ =	swait.ge [sflag:s23], $0x1  }
0xa3: {  	[sflag:s23] =	ssyncset.done $0x0  }
0xa4: {  	s25 =	simm.s32 $0x1B8E;
	s24 =	sld [smem:$0x3FFE];
	[sflag:s23] =	ssyncadd.s32 $0xFFFFFFFF  }
0xa5: {  	s26 =	simm.s32 $execute0_lowered;
	[smem:$0x3FD2] =	sst s25  }
0xa6: {  	s4 =	sshll.u32 s26, $0x1;
	_ =	strace $0x8000004C;
	[dreg:$0x1] =	wrdreg $0xFFFFFFFF  }
0xa7: {  	s28 =	simm.s32 $_size_execute0_lowered;
	s2 =	sadd.s32 s2, s4;
	[dreg:$0x0] =	wrdreg $0x0  }
0xa8: {  	s4 =	sshll.u32 s28, $0x1;
	[dreg:$0x2] =	wrdreg s2  }
0xa9: {  	[dreg:$0x3] =	wrdreg s4  }
0xaa: {  	[dreg:$0x4] =	wrdreg $0xC0  }
0xab: {  	_ =	task [dreg:s6], $0x5FFFF  }
0xac: {  	[dreg:$0x1] =	wrdreg $0xFFFFFFFF  }
0xad: {  	[dreg:$0x0] =	wrdreg $0x60  }
0xae: {  	[dreg:$0x2] =	wrdreg s24  }
0xaf: {  	[dreg:$0x3] =	wrdreg $0x0  }
0xb0: {  	[dreg:$0x4] =	wrdreg $0x50000  }
0xb1: {  	[dreg:$0x5] =	wrdreg $0x9  }
0xb2: {  	_ =	task.clear_ibuf [dreg:s6], $0x6FFFF;
	_ =	strace $0x9000004C  }
0xb3: {  	s29 =	simm.s32 $0x9;
	_ =	strace $0x8000004E  }
0xb4: {  	_ =	swait.ge [sflag:s29], $0x1  }
0xb5: {  	[sflag:s29] =	ssyncadd.s32 $0xFFFFFFFF  }
0xb6: {  	_ =	strace $0x9000004E  }
0xb7: {  	_ =	sfence  }
0xb8: {  	s30 =	sld [smem:$0x0];
	_ =	sdelay $0x2  }
0xb9: {  	s31 =	sshll.u32 s1, $0xD;
	s1 =	sshrl.u32 s1, $0x2  }
0xba: {  	s3 =	sand.u32 $0x4000, s31;
	s1 =	sadd.s32 s1, s30  }
0xbb: {  	s0 =	sor.u32 s3, s0;
	s1 =	sshll.u32 s1, $0x11  }
0xbc: {  	s0 =	sor.u32 s1, s0  }
0xbd: {  	s0 =	sadd.s32 $0x8F2B, s0  }
0xbe: {  	[sflag:s0] =	ssyncadd.remote.s32 $0x1  }
0xbf: {  	_ =	sfence.sel $0xFFFF  }
0xc0: {  	[dreg:$0x0] =	wrdreg $0xFFFFFFFF;
	(pc) =	sbr.abs _section_cstart, $3  }
0xc1: {  	[dreg:$0x1] =	wrdreg $0xFFFFFFFF  }
0xc2: {  	_ =	task.clear_ibuf [dreg:s6], $0x2FFFF;
	_ =	strace $0x9FFFFFFF  }
0xc3: {  	(tm) =	ssettm $0x7FFFFFFF  }
tec
execute0_lowered:
.L_overlay_start_1:
0x0: {  	(tag) =	ssettag $0x1  }
0x1: {  	s5 =	rddreg [dreg:$0x0]  }
0x2: {  	s0 =	srdreg.scid;
	s2 =	rddreg [dreg:$0x1]  }
0x3: {  	s4 =	stileid.u32;
	s3 =	rddreg [dreg:$0x2]  }
0x4: {  	s13 =	simm.s32 $0xA000;
	s14 =	simm.s32 $0x9;
	s15 =	simm.s32 $0xF000  }
0x5: {  	s16 =	simm.s32 $0x11800;
	s17 =	simm.s32 $0x80;
	s18 =	simm.s32 $0x14000  }
0x6: {  	s20 =	simm.s32 $0x15000;
	s21 =	simm.s32 $0x1;
	s23 =	simm.s32 $0x16000  }
0x7: {  	s24 =	simm.s32 $0x2;
	s28 =	simm.s32 $0x17000;
	s29 =	simm.s32 $0x3  }
0x8: {  	s30 =	simm.s32 $0x5;
	s31 =	simm.s32 $0x4;
	s19 =	simm.s32 $0x8  }
0x9: {  	s0 =	sand.u32 $0x1, s0;
	s1 =	sshll.u32 s4, $0x1;
	s8 =	smul.u32 $0x5000, s4  }
0xa: {  	s4 =	simm.s32 $0x0;
	s1 =	sor.u32 s0, s1;
	s6 =	smul.u32 $0x50000, s0  }
0xb: {  	[smem:$0x7FF] =	sst s4;
	s0 =	ssub.s32 $0x2, s0;
	s1 =	smul.u32 $0x500, s1  }
0xc: {  	_ =	strace $0x8000004D;
	s7 =	sshrl.u32 s8, $0x3;
	s25 =	sshrl.u32 s0, $0x1  }
0xd: {  	s6 =	sadd.s32 s8, s6;
	s7 =	sadd.s32 s7, s5;
	s0 =	ssub.s32 s0, s25  }
0xe: {  	s1 =	sadd.s32 s1, s5;
	s6 =	sshrl.u32 s6, $0x3;
	s26 =	sadd.s32 $0x16A00, s7  }
0xf: {  	s7 =	sadd.s32 $0xCA00, s7;
	s12 =	smax.u32 s0, $0x1;
	s0 =	simm.s32 $0x7  }
0x10: {  	s11 =	sadd.s32 s6, s5;
	[dreg:$0x4] =	wrdreg s26;
	s6 =	sadd.s32 s8, s2  }
0x11: {  	s8 =	sadd.s32 s8, s3;
	s9 =	sadd.s32 $0x2AA00, s1;
	s10 =	sadd.s32 $0x2A00, s1  }
0x12: {  	s1 =	simm.s32 $0x6;
	s26 =	simm.s32 $0x0;
	s11 =	sadd.s32 $0x34A00, s11  }
.LBB2_1:
0x13: {  	s5 =	rddreg [dreg:$0x4]  }
0x14: {  	[tilespmem:s13], [sflag:$0x9] =	stream.linear.gather [hbm4b:s5+s4], $0x5000, $0x38;
	[tilespmem:$0x18000] =	vst v63  }
0x15: {  	_ =	swait.ge [sflag:s14], $0x5000  }
0x16: {  	[sflag:s14] =	ssyncset.done $0x0  }
0x17: {  	[sflag:s14] =	ssyncadd.s32 $0xFFFFB000  }
0x18: {  	[spmem:s6] =	stream.linear.scatter [tilespmem:s13], [sflag:$0x9], $0x5000, $0x38;
	[tilespmem:$0x18000] =	vst v63  }
0x19: {  	_ =	swait.ge [sflag:s14], $0x5000  }
0x1a: {  	[sflag:s14] =	ssyncset.done $0x0  }
0x1b: {  	[sflag:s14] =	ssyncadd.s32 $0xFFFFB000  }
0x1c: {  	[tilespmem:s13], [sflag:$0x9] =	stream.linear.gather [hbm4b:s7+s4], $0x5000, $0x38;
	[tilespmem:$0x18000] =	vst v63  }
0x1d: {  	_ =	swait.ge [sflag:s14], $0x5000  }
0x1e: {  	[sflag:s14] =	ssyncset.done $0x0  }
0x1f: {  	[sflag:s14] =	ssyncadd.s32 $0xFFFFB000  }
0x20: {  	[spmem:s8] =	stream.linear.scatter [tilespmem:s13], [sflag:$0x9], $0x5000, $0x38;
	[tilespmem:$0x18000] =	vst v63  }
0x21: {  	_ =	swait.ge [sflag:s14], $0x5000  }
0x22: {  	[sflag:s14] =	ssyncset.done $0x0  }
0x23: {  	[sflag:s14] =	ssyncadd.s32 $0xFFFFB000  }
0x24: {  	[tilespmem:s15], [sflag:$0x9] =	stream.linear.gather [hbm4b:s9+s4], $0x2800, $0x38;
	[tilespmem:$0x18000] =	vst v63  }
0x25: {  	_ =	swait.ge [sflag:s14], $0x2800  }
0x26: {  	[sflag:s14] =	ssyncset.done $0x0  }
0x27: {  	[sflag:s14] =	ssyncadd.s32 $0xFFFFD800  }
0x28: {  	[tilespmem:s16], [sflag:$0x9] =	stream.linear.gather [hbm4b:s10+s4], $0x2800, $0x38;
	[tilespmem:$0x18000] =	vst v63  }
0x29: {  	_ =	swait.ge [sflag:s14], $0x2800  }
0x2a: {  	[sflag:s14] =	ssyncset.done $0x0  }
0x2b: {  	[sflag:s14] =	ssyncadd.s32 $0xFFFFD800  }
0x2c: {  	[bflag:$0x0] =	sbarrier.arrive $0xFFFF  }
0x2d: {  	[tilespmem:s18], [sflag:$0x1] =	stream.indirect.gather [spmem:s2], $0x20, s15, s17, $0xb8;
	[tilespmem:$0x18000] =	vst v63  }
0x2e: {  	s22 =	simm.s32 $0xF080  }
0x2f: {  	[tilespmem:s20], [sflag:$0x2] =	stream.indirect.gather [spmem:s2], $0x20, s22, s17, $0xb8;
	[tilespmem:$0x18000] =	vst v63  }
0x30: {  	_ =	swait.ge [sflag:s21], $0x1000  }
0x31: {  	[sflag:s21] =	ssyncset.done $0x0  }
0x32: {  	[sflag:s21] =	ssyncadd.s32 $0xFFFFF000  }
0x33: {  	[spmem:s3] =	stream.indirect.scatter.add.f32 [tilespmem:s18], [sflag:$0x5], $0x20, s16, s17, $0xb8;
	[tilespmem:$0x18000] =	vst v63  }
0x34: {  	s25 =	simm.s32 $0xF100  }
0x35: {  	[tilespmem:s23], [sflag:$0x3] =	stream.indirect.gather [spmem:s2], $0x20, s25, s17, $0xb8;
	[tilespmem:$0x18000] =	vst v63  }
0x36: {  	_ =	swait.ge [sflag:s24], $0x1000  }
0x37: {  	[sflag:s24] =	ssyncset.done $0x0  }
0x38: {  	s22 =	simm.s32 $0x11880;
	[sflag:s24] =	ssyncadd.s32 $0xFFFFF000  }
0x39: {  	[spmem:s3] =	stream.indirect.scatter.add.f32 [tilespmem:s20], [sflag:$0x6], $0x20, s22, s17, $0xb8;
	[tilespmem:$0x18000] =	vst v63  }
0x3a: {  	s25 =	simm.s32 $0xF180  }
0x3b: {  	[tilespmem:s28], [sflag:$0x4] =	stream.indirect.gather [spmem:s2], $0x20, s25, s17, $0xb8;
	[tilespmem:$0x18000] =	vst v63  }
0x3c: {  	_ =	swait.ge [sflag:s29], $0x1000  }
0x3d: {  	[sflag:s29] =	ssyncset.done $0x0  }
0x3e: {  	s22 =	simm.s32 $0x11900;
	[sflag:s29] =	ssyncadd.s32 $0xFFFFF000  }
0x3f: {  	[spmem:s3] =	stream.indirect.scatter.add.f32 [tilespmem:s23], [sflag:$0x7], $0x20, s22, s17, $0xb8;
	[tilespmem:$0x18000] =	vst v63  }
0x40: {  	_ =	swait.ge [sflag:s30], $0x1000  }
0x41: {  	[sflag:s30] =	ssyncset.done $0x0  }
0x42: {  	s5 =	simm.s32 $0xF200;
	[sflag:s30] =	ssyncadd.s32 $0xFFFFF000  }
0x43: {  	[tilespmem:s18], [sflag:$0x1] =	stream.indirect.gather [spmem:s2], $0x20, s5, s17, $0xb8;
	[tilespmem:$0x18000] =	vst v63  }
0x44: {  	_ =	swait.ge [sflag:s31], $0x1000  }
0x45: {  	[sflag:s31] =	ssyncset.done $0x0  }
0x46: {  	s25 =	simm.s32 $0x11980;
	[sflag:s31] =	ssyncadd.s32 $0xFFFFF000  }
0x47: {  	[spmem:s3] =	stream.indirect.scatter.add.f32 [tilespmem:s28], [sflag:$0x8], $0x20, s25, s17, $0xb8;
	[tilespmem:$0x18000] =	vst v63  }
0x48: {  	_ =	swait.ge [sflag:s1], $0x1000  }
0x49: {  	[sflag:s1] =	ssyncset.done $0x0  }
0x4a: {  	s5 =	simm.s32 $0xF280;
	[sflag:s1] =	ssyncadd.s32 $0xFFFFF000  }
0x4b: {  	[tilespmem:s20], [sflag:$0x2] =	stream.indirect.gather [spmem:s2], $0x20, s5, s17, $0xb8;
	[tilespmem:$0x18000] =	vst v63  }
0x4c: {  	_ =	swait.ge [sflag:s21], $0x1000  }
0x4d: {  	[sflag:s21] =	ssyncset.done $0x0  }
0x4e: {  	s25 =	simm.s32 $0x11A00;
	[sflag:s21] =	ssyncadd.s32 $0xFFFFF000  }
0x4f: {  	[spmem:s3] =	stream.indirect.scatter.add.f32 [tilespmem:s18], [sflag:$0x5], $0x20, s25, s17, $0xb8;
	[tilespmem:$0x18000] =	vst v63  }
0x50: {  	_ =	swait.ge [sflag:s0], $0x1000  }
0x51: {  	[sflag:s0] =	ssyncset.done $0x0  }
0x52: {  	s5 =	simm.s32 $0xF300;
	[sflag:s0] =	ssyncadd.s32 $0xFFFFF000  }
0x53: {  	[tilespmem:s23], [sflag:$0x3] =	stream.indirect.gather [spmem:s2], $0x20, s5, s17, $0xb8;
	[tilespmem:$0x18000] =	vst v63  }
0x54: {  	_ =	swait.ge [sflag:s24], $0x1000  }
0x55: {  	[sflag:s24] =	ssyncset.done $0x0  }
0x56: {  	s25 =	simm.s32 $0x11A80;
	[sflag:s24] =	ssyncadd.s32 $0xFFFFF000  }
0x57: {  	[spmem:s3] =	stream.indirect.scatter.add.f32 [tilespmem:s20], [sflag:$0x6], $0x20, s25, s17, $0xb8;
	[tilespmem:$0x18000] =	vst v63  }
0x58: {  	_ =	swait.ge [sflag:s19], $0x1000  }
0x59: {  	[sflag:s19] =	ssyncset.done $0x0  }
0x5a: {  	s22 =	simm.s32 $0x800;
	s25 =	simm.s32 $0xF380;
	[sflag:s19] =	ssyncadd.s32 $0xFFFFF000  }
.LBB2_2:
0x5b: {  	[tilespmem:s28], [sflag:$0x4] =	stream.indirect.gather [spmem:s2], $0x20, s25, s17, $0xb8;
	[tilespmem:$0x18000] =	vst v63  }
0x5c: {  	s25 =	smov.u32 s22  }
0x5d: {  	p0 =	sne.s32 s22, $0x9000;
	s22 =	sadd.s32 $0x800, s22;
	_ =	swait.ge [sflag:s29], $0x1000  }
0x5e: {  	s25 =	sshra.s32 s25, $0x2;
	[sflag:s29] =	ssyncset.done $0x0  }
0x5f: {  	s5 =	sadd.s32 $0x11900, s25;
	[sflag:s29] =	ssyncadd.s32 $0xFFFFF000  }
0x60: {  	[spmem:s3] =	stream.indirect.scatter.add.f32 [tilespmem:s23], [sflag:$0x7], $0x20, s5, s17, $0xb8;
	[tilespmem:$0x18000] =	vst v63  }
0x61: {  	_ =	swait.ge [sflag:s30], $0x1000  }
0x62: {  	[sflag:s30] =	ssyncset.done $0x0  }
0x63: {  	s5 =	sadd.s32 $0xF200, s25;
	[sflag:s30] =	ssyncadd.s32 $0xFFFFF000  }
0x64: {  	[tilespmem:s18], [sflag:$0x1] =	stream.indirect.gather [spmem:s2], $0x20, s5, s17, $0xb8;
	[tilespmem:$0x18000] =	vst v63  }
0x65: {  	_ =	swait.ge [sflag:s31], $0x1000  }
0x66: {  	[sflag:s31] =	ssyncset.done $0x0  }
0x67: {  	s5 =	sadd.s32 $0x11980, s25;
	[sflag:s31] =	ssyncadd.s32 $0xFFFFF000  }
0x68: {  	[spmem:s3] =	stream.indirect.scatter.add.f32 [tilespmem:s28], [sflag:$0x8], $0x20, s5, s17, $0xb8;
	[tilespmem:$0x18000] =	vst v63  }
0x69: {  	_ =	swait.ge [sflag:s1], $0x1000  }
0x6a: {  	[sflag:s1] =	ssyncset.done $0x0  }
0x6b: {  	s5 =	sadd.s32 $0xF280, s25;
	[sflag:s1] =	ssyncadd.s32 $0xFFFFF000  }
0x6c: {  	[tilespmem:s20], [sflag:$0x2] =	stream.indirect.gather [spmem:s2], $0x20, s5, s17, $0xb8;
	[tilespmem:$0x18000] =	vst v63  }
0x6d: {  	_ =	swait.ge [sflag:s21], $0x1000  }
0x6e: {  	[sflag:s21] =	ssyncset.done $0x0  }
0x6f: {  	s5 =	sadd.s32 $0x11A00, s25;
	[sflag:s21] =	ssyncadd.s32 $0xFFFFF000  }
0x70: {  	[spmem:s3] =	stream.indirect.scatter.add.f32 [tilespmem:s18], [sflag:$0x5], $0x20, s5, s17, $0xb8;
	[tilespmem:$0x18000] =	vst v63  }
0x71: {  	_ =	swait.ge [sflag:s0], $0x1000  }
0x72: {  	[sflag:s0] =	ssyncset.done $0x0  }
0x73: {  	s5 =	sadd.s32 $0xF300, s25;
	[sflag:s0] =	ssyncadd.s32 $0xFFFFF000  }
0x74: {  	[tilespmem:s23], [sflag:$0x3] =	stream.indirect.gather [spmem:s2], $0x20, s5, s17, $0xb8;
	[tilespmem:$0x18000] =	vst v63  }
0x75: {  	_ =	swait.ge [sflag:s24], $0x1000  }
0x76: {  	[sflag:s24] =	ssyncset.done $0x0  }
.Ltmp0:
0x77: {  	s5 =	sadd.s32 $0x11A80, s25;
	[sflag:s24] =	ssyncadd.s32 $0xFFFFF000;
	(pc) =	sbr.rel @p0 .LBB2_2-.Ltmp0, $4  }
0x78: {  	[spmem:s3] =	stream.indirect.scatter.add.f32 [tilespmem:s20], [sflag:$0x6], $0x20, s5, s17, $0xb8;
	[tilespmem:$0x18000] =	vst v63  }
0x79: {  	_ =	swait.ge [sflag:s19], $0x1000  }
0x7a: {  	[sflag:s19] =	ssyncset.done $0x0  }
0x7b: {  	s25 =	sadd.s32 $0xF380, s25;
	[sflag:s19] =	ssyncadd.s32 $0xFFFFF000  }
0x7c: {  	[tilespmem:s28], [sflag:$0x4] =	stream.indirect.gather [spmem:s2], $0x20, s25, s17, $0xb8;
	[tilespmem:$0x18000] =	vst v63  }
0x7d: {  	_ =	swait.ge [sflag:s29], $0x1000  }
0x7e: {  	[sflag:s29] =	ssyncset.done $0x0  }
0x7f: {  	s5 =	simm.s32 $0x13F00;
	[sflag:s29] =	ssyncadd.s32 $0xFFFFF000  }
0x80: {  	[spmem:s3] =	stream.indirect.scatter.add.f32 [tilespmem:s23], [sflag:$0x7], $0x20, s5, s17, $0xb8;
	[tilespmem:$0x18000] =	vst v63  }
0x81: {  	_ =	swait.ge [sflag:s30], $0x1000  }
0x82: {  	[sflag:s30] =	ssyncset.done $0x0  }
0x83: {  	[sflag:s30] =	ssyncadd.s32 $0xFFFFF000  }
0x84: {  	_ =	swait.ge [sflag:s31], $0x1000  }
0x85: {  	[sflag:s31] =	ssyncset.done $0x0  }
0x86: {  	s25 =	simm.s32 $0x13F80;
	[sflag:s31] =	ssyncadd.s32 $0xFFFFF000  }
0x87: {  	[spmem:s3] =	stream.indirect.scatter.add.f32 [tilespmem:s28], [sflag:$0x8], $0x20, s25, s17, $0xb8;
	[tilespmem:$0x18000] =	vst v63  }
0x88: {  	_ =	swait.ge [sflag:s1], $0x1000  }
0x89: {  	[sflag:s1] =	ssyncset.done $0x0  }
0x8a: {  	[sflag:s1] =	ssyncadd.s32 $0xFFFFF000  }
0x8b: {  	_ =	swait.ge [sflag:s0], $0x1000  }
0x8c: {  	[sflag:s0] =	ssyncset.done $0x0  }
0x8d: {  	[sflag:s0] =	ssyncadd.s32 $0xFFFFF000  }
0x8e: {  	_ =	swait.ge [sflag:s19], $0x1000  }
0x8f: {  	[sflag:s19] =	ssyncset.done $0x0  }
0x90: {  	[sflag:s19] =	ssyncadd.s32 $0xFFFFF000  }
0x91: {  	[bflag:$0x0] =	sbarrier.arrive $0xFFFF  }
0x92: {  	[tilespmem:s13], [sflag:$0x9] =	stream.linear.gather [spmem:s8], $0x5000, $0x38;
	[tilespmem:$0x18000] =	vst v63  }
0x93: {  	s26 =	sadd.s32 $0x1, s26;
	_ =	swait.ge [sflag:s14], $0x5000  }
0x94: {  	p0 =	sne.s32 s26, s12;
	[sflag:s14] =	ssyncset.done $0x0  }
.Ltmp1:
0x95: {  	[sflag:s14] =	ssyncadd.s32 $0xFFFFB000;
	(pc) =	sbr.rel @p0 .LBB2_1-.Ltmp1, $4  }
0x96: {  	[hbm4b:s11+s4] =	stream.linear.scatter [tilespmem:s13], [sflag:$0x9], $0x5000, $0x38;
	[tilespmem:$0x18000] =	vst v63  }
0x97: {  	_ =	swait.ge [sflag:s14], $0x5000  }
0x98: {  	[sflag:s14] =	ssyncset.done $0x0  }
0x99: {  	[sflag:s14] =	ssyncadd.s32 $0xFFFFB000  }
0x9a: {  	_ =	sfence.sel $0x180000  }
0x9b: {  	[bflag:$0x0] =	sbarrier.arrive $0xFFFF  }
0x9c: {  	_ =	strace $0x9000004D  }
0x9d: {  	s0 =	stileid.u32;
	[bflag:$0x2] =	sbarrier.arrive $0xFFFF  }
0x9e: {  	p0 =	sne.s32 s0, $0x0;
	s0 =	rddreg [dreg:$0x3]  }
0x9f: {  	s0 =	sadd.s32 @!p0 $0x100000, s0  }
0xa0: {  	[sflag:s0] =	ssyncadd.tile.s32 @!p0 $0x1;
	_ =	shalt  }
.Lfunc_end2:
_tile_overlayer_lowered:
.L_overlay_start_2:
0xa1: {  	(tag) =	ssettag $0x2  }
0xa2: {  	s0 =	rddreg [dreg:$0x0];
	s2 =	stileid.u32  }
0xa3: {  	s1 =	rddreg [dreg:$0x1];
	p0 =	sne.s32 s2, $0x0  }
0xa4: {  	s3 =	rddreg [dreg:$0x2];
	[bflag:$0x3] =	sbarrier.arrive $0xFFFF;
	s2 =	simm.s32 @!p0 $0x1C09  }
0xa5: {  	[timem:s3], [sflag:s2] =	dma.local @!p0 [hbm:s0], s1  }
0xa6: {  	s0 =	simm.s32 @!p0 $0x9  }
0xa7: {  	_ =	swait.ge @!p0 [sflag:s0], s1  }
0xa8: {  	s1 =	ssub.s32 @!p0 $0x0, s1;
	[sflag:s0] =	ssyncset.done @!p0 $0x0  }
0xa9: {  	[sflag:s0] =	ssyncadd.s32 @!p0 s1  }
0xaa: {  	[bflag:$0x3] =	sbarrier.arrive $0xFFFF  }
0xab: {  	_ =	shalt  }

// kernel: kernel.8.cloned.1.call-start
scs
__scs_entry_jumppad:
0x0: {  	(pc) =	sbr.rel $0x88, $3  }
0x1: {  	(tag) =	ssettag $0x0;
	lr =	simm.s32 $0x1  }
0x2: {  	[smem:$0x3F98] =	sst lr;
	_ =	strace $0xD0000000  }
0x3: {  	_ = 	snop  }
0x4: {  	_ = 	snop  }
0x5: {  	_ = 	snop  }
0x6: {  	_ = 	snop  }
0x7: {  	_ = 	snop  }
__scs_overlays_trampoline_lowered:
0x8: {  	[smem:$0x3FA7] =	sst s0  }
0x9: {  	[smem:$0x3FA8] =	sst s1  }
0xa: {  	[smem:$0x3FA9] =	sst s2  }
0xb: {  	[smem:$0x3FAA] =	sst s3  }
0xc: {  	[smem:$0x3FAB] =	sst s4  }
0xd: {  	[smem:$0x3FAC] =	sst s5  }
0xe: {  	[smem:$0x3FAD] =	sst s6  }
0xf: {  	[smem:$0x3FAE] =	sst s7  }
0x10: {  	[smem:$0x3FAF] =	sst s8  }
0x11: {  	[smem:$0x3FB0] =	sst s9;
	s0 =	simm.s32 @!p0 $0x0  }
0x12: {  	s1 =	sld [smem:$0x3F96];
	s0 =	simm.s32 @p0 $0x1  }
0x13: {  	[smem:$0x3FB1] =	sst s0;
	s0 =	simm.s32 @!p1 $0x0  }
0x14: {  	s2 =	sld [smem:$0x3F95];
	s0 =	simm.s32 @p1 $0x1  }
0x15: {  	[smem:$0x3FB2] =	sst s0;
	s0 =	simm.s32 @!p2 $0x0  }
0x16: {  	s3 =	sld [smem:$0x3FDB];
	s0 =	simm.s32 @p2 $0x1  }
0x17: {  	s4 =	simm.s32 $0x1BF5;
	[smem:$0x3FB4] =	sst s0  }
0x18: {  	s0 =	sld [smem:$0x3F97];
	_ =	swait.ge [sflag:s4], $0x0  }
0x19: {  	s7 =	sld [smem:$0x3F98]  }
0x1a: {  	s8 =	sadd.s32 $0xFFFFE003, lr  }
0x1b: {  	s9 =	sadd.s32 $0xFFFFFEF7, lr;
	s5 =	simm.s32 $0xFFFFFFFF;
	p2 =	slt.u32 s8, $0xFFFFF086  }
0x1c: {  	p1 =	slt.u32 s9, $0xF7A;
	s5 =	simm.s32 @!p2 $0x0  }
0x1d: {  	s5 =	simm.s32 @p1 $0x1;
	p0 =	seq.s32 s7, s2  }
0x1e: {  	s7 =	smul.u32 @!p0 $0xF7A, s2;
	p2 =	seq.s32 @!p0 s5, $0x0  }
0x1f: {  	s9 =	smul.u32 $0xF7A, s1;
	s8 =	simm.s32 @!p0 $0x1BF5;
	p2 =	por !p2, p0  }
0x20: {  	[sflag:s8] =	ssyncset.s32 @!p0 $0xFFFFF086;
	s6 =	sadd.s32 @!p0 s3, s7;
	s7 =	simm.s32 @!p0 $0x108  }
0x21: {  	s3 =	sadd.s32 s3, s9;
	s6 =	sadd.s32 @!p0 $0x88, s6;
	s7 =	simm.s32 @p2 $0x1082  }
0x22: {  	[simem:s7], [sflag:s8] =	dma.local @!p0 [hbm:s6], $0xF7A  }
0x23: {  	s9 =	sor.u32 $0xD0000000, s2;
	s6 =	simm.s32 $0x108;
	_ =	swait.ge @!p0 [sflag:s8], $0x0  }
0x24: {  	s3 =	sadd.s32 $0x88, s3;
	s6 =	simm.s32 @!p1 $0x1082;
	[sflag:s4] =	ssyncset.s32 $0xFFFFF086  }
0x25: {  	[simem:s6], [sflag:s4] =	dma.local [hbm:s3], $0xF7A  }
0x26: {  	[smem:$0x3F98] =	sst s1;
	(tag) =	ssettag s2;
	_ =	strace s9  }
0x27: {  	s1 =	sld [smem:$0x3FA8]  }
0x28: {  	s2 =	sld [smem:$0x3FA9]  }
0x29: {  	s4 =	sld [smem:$0x3FAB]  }
0x2a: {  	p0 =	seq.s32 s5, $0x0;
	s5 =	sld [smem:$0x3FAC]  }
0x2b: {  	s6 =	sld [smem:$0x3FAD]  }
0x2c: {  	s7 =	sld [smem:$0x3FAE]  }
0x2d: {  	s3 =	simm.s32 $0x108;
	s8 =	sld [smem:$0x3FAF]  }
0x2e: {  	s3 =	simm.s32 @!p0 $0x1082;
	s9 =	sld [smem:$0x3FB0]  }
0x2f: {  	lr =	sadd.s32 s0, s3;
	s0 =	sld [smem:$0x3FA7]  }
0x30: {  	s3 =	sld [smem:$0x3FAA]  }
0x31: {  	[smem:$0x3FB3] =	sst s10  }
0x32: {  	s10 =	sld [smem:$0x3FB1];
	_ =	sdelay $0x3  }
0x33: {  	p0 =	seq.s32 s10, $0x1;
	s10 =	sld [smem:$0x3FB3];
	_ =	sdelay $0x3  }
0x34: {  	[smem:$0x3FB3] =	sst s10  }
0x35: {  	s10 =	sld [smem:$0x3FB2];
	_ =	sdelay $0x3  }
0x36: {  	p1 =	seq.s32 s10, $0x1;
	s10 =	sld [smem:$0x3FB3];
	_ =	sdelay $0x3  }
0x37: {  	[smem:$0x3FB3] =	sst s10  }
0x38: {  	s10 =	sld [smem:$0x3FB4]  }
0x39: {  	_ = 	snop;
	(pc) =	sbr.ind lr, $3  }
0x3a: {  	_ = 	snop  }
0x3b: {  	_ = 	snop  }
0x3c: {  	p2 =	seq.s32 s10, $0x1;
	s10 =	sld [smem:$0x3FB3]  }
0x3d: {  	_ =	shalt  }
0x3e: {  	_ =	shalt  }
0x3f: {  	_ =	shalt  }
0x40: {  	_ =	shalt  }
0x41: {  	_ =	shalt  }
0x42: {  	_ =	shalt  }
0x43: {  	_ =	shalt  }
0x44: {  	_ =	shalt  }
0x45: {  	_ =	shalt  }
0x46: {  	_ =	shalt  }
0x47: {  	_ =	shalt  }
0x48: {  	_ =	shalt  }
0x49: {  	_ =	shalt  }
0x4a: {  	_ =	shalt  }
0x4b: {  	_ =	shalt  }
0x4c: {  	_ =	shalt  }
0x4d: {  	_ =	shalt  }
0x4e: {  	_ =	shalt  }
0x4f: {  	_ =	shalt  }
0x50: {  	_ =	shalt  }
0x51: {  	_ =	shalt  }
0x52: {  	_ =	shalt  }
0x53: {  	_ =	shalt  }
0x54: {  	_ =	shalt  }
0x55: {  	_ =	shalt  }
0x56: {  	_ =	shalt  }
0x57: {  	_ =	shalt  }
0x58: {  	_ =	shalt  }
0x59: {  	_ =	shalt  }
0x5a: {  	_ =	shalt  }
0x5b: {  	_ =	shalt  }
0x5c: {  	_ =	shalt  }
0x5d: {  	_ =	shalt  }
0x5e: {  	_ =	shalt  }
0x5f: {  	_ =	shalt  }
0x60: {  	_ =	shalt  }
0x61: {  	_ =	shalt  }
0x62: {  	_ =	shalt  }
0x63: {  	_ =	shalt  }
0x64: {  	_ =	shalt  }
0x65: {  	_ =	shalt  }
0x66: {  	_ =	shalt  }
0x67: {  	_ =	shalt  }
0x68: {  	_ =	shalt  }
0x69: {  	_ =	shalt  }
0x6a: {  	_ =	shalt  }
0x6b: {  	_ =	shalt  }
0x6c: {  	_ =	shalt  }
0x6d: {  	_ =	shalt  }
0x6e: {  	_ =	shalt  }
0x6f: {  	_ =	shalt  }
0x70: {  	_ =	shalt  }
0x71: {  	_ =	shalt  }
0x72: {  	_ =	shalt  }
0x73: {  	_ =	shalt  }
0x74: {  	_ =	shalt  }
0x75: {  	_ =	shalt  }
0x76: {  	_ =	shalt  }
0x77: {  	_ =	shalt  }
0x78: {  	_ =	shalt  }
0x79: {  	_ =	shalt  }
0x7a: {  	_ =	shalt  }
0x7b: {  	_ =	shalt  }
0x7c: {  	_ =	shalt  }
0x7d: {  	_ =	shalt  }
0x7e: {  	_ =	shalt  }
0x7f: {  	_ =	shalt  }
0x80: {  	_ =	shalt  }
0x81: {  	_ =	shalt  }
0x82: {  	_ =	shalt  }
0x83: {  	_ =	shalt  }
0x84: {  	_ =	shalt  }
0x85: {  	_ =	shalt  }
0x86: {  	_ =	shalt  }
0x87: {  	_ =	shalt  }
.Lfunc_end0:
.L_simem_size_0:
called_computation_lowered:
.L_overlay_start_0:
0x88: {  	s2 =	sld [smem:$0x3FD9]  }
0x89: {  	s3 =	sld [smem:$0x3FFE];
	_ =	sdelay $0x1  }
0x8a: {  	s1 =	srdreg.scid  }
0x8b: {  	s0 =	sand.u32 $0x1, s1  }
0x8c: {  	s17 =	sshll.u32 s0, $0xA;
	s2 =	sadd.s32 s3, s2  }
0x8d: {  	s2 =	sadd.s32 s2, s17  }
0x8e: {  	[smem:$0x3FBF] =	sst s2  }
0x8f: {  	_ = 	snop  }
0x90: {  	s2 =	sld [smem:$0x3FD0];
	(tm) =	ssettm $0x1  }
0x91: {  	s18 =	sld [smem:$0x3FFB];
	_ =	sdelay $0x3  }
0x92: {  	_ =	strace s18  }
0x93: {  	s3 =	sld [smem:$0x3FFC];
	_ =	sdelay $0x3  }
0x94: {  	_ =	strace s3  }
0x95: {  	s3 =	sld [smem:$0x3FFD];
	_ =	sdelay $0x3  }
0x96: {  	_ =	strace s3  }
0x97: {  	_ =	strace $0x8FFFFFFF  }
0x98: {  	s19 =	sld [smem:$0x3FDB];
	_ =	sdelay $0x1  }
0x99: {  	s4 =	simm.s32 $_scs_section_size  }
0x9a: {  	s5 =	simm.s32 $_size__tile_overlayer_lowered;
	s6 =	simm.s32 $_tile_overlayer_lowered  }
0x9b: {  	s22 =	simm.s32 $0x1BFF;
	s21 =	sshll.u32 s6, $0x1;
	s3 =	sadd.s32 s4, s19  }
0x9c: {  	s7 =	simm.s32 $0x0;
	s20 =	sshll.u32 s5, $0x1;
	s5 =	sadd.s32 s21, s3  }
0x9d: {  	[timem:s7], [sflag:s22] =	dma.local [hbm:s5], s20  }
0x9e: {  	_ =	swait.ge [sflag:s22], s20  }
0x9f: {  	s4 =	ssub.s32 $0x0, s20;
	[sflag:s22] =	ssyncset.done $0x0  }
0xa0: {  	[sflag:s22] =	ssyncadd.s32 s4;
	_ =	sdelay $0x1  }
0xa1: {  	s23 =	simm.s32 $0x1B8B  }
0xa2: {  	_ =	swait.ge [sflag:s23], $0x1  }
0xa3: {  	[sflag:s23] =	ssyncset.done $0x0  }
0xa4: {  	s25 =	simm.s32 $0x1B8E;
	s24 =	sld [smem:$0x3FFE];
	[sflag:s23] =	ssyncadd.s32 $0xFFFFFFFF  }
0xa5: {  	s26 =	simm.s32 $execute0_lowered;
	[smem:$0x3FD2] =	sst s25  }
0xa6: {  	s5 =	sshll.u32 s26, $0x1;
	_ =	strace $0x80000046;
	[dreg:$0x1] =	wrdreg $0xFFFFFFFF  }
0xa7: {  	s28 =	simm.s32 $_size_execute0_lowered;
	s3 =	sadd.s32 s3, s5;
	[dreg:$0x0] =	wrdreg $0x0  }
0xa8: {  	s5 =	sshll.u32 s28, $0x1;
	[dreg:$0x2] =	wrdreg s3  }
0xa9: {  	[dreg:$0x3] =	wrdreg s5  }
0xaa: {  	[dreg:$0x4] =	wrdreg $0xC0  }
0xab: {  	_ =	task [dreg:s7], $0x5FFFF  }
0xac: {  	[dreg:$0x1] =	wrdreg $0xFFFFFFFF  }
0xad: {  	[dreg:$0x0] =	wrdreg $0x60  }
0xae: {  	[dreg:$0x2] =	wrdreg s24  }
0xaf: {  	[dreg:$0x3] =	wrdreg s2  }
0xb0: {  	[dreg:$0x4] =	wrdreg $0x0  }
0xb1: {  	[dreg:$0x5] =	wrdreg $0x9  }
0xb2: {  	_ =	task.clear_ibuf [dreg:s7], $0x6FFFF;
	_ =	strace $0x90000046  }
0xb3: {  	s29 =	simm.s32 $0x9;
	_ =	strace $0x80000048  }
0xb4: {  	_ =	swait.ge [sflag:s29], $0x1  }
0xb5: {  	[sflag:s29] =	ssyncadd.s32 $0xFFFFFFFF  }
0xb6: {  	_ =	strace $0x90000048  }
0xb7: {  	_ =	sfence  }
0xb8: {  	s30 =	sld [smem:$0x0];
	_ =	sdelay $0x2  }
0xb9: {  	s31 =	sshll.u32 s1, $0xD;
	s1 =	sshrl.u32 s1, $0x2  }
0xba: {  	s3 =	sand.u32 $0x4000, s31;
	s1 =	sadd.s32 s1, s30  }
0xbb: {  	s0 =	sor.u32 s3, s0;
	s1 =	sshll.u32 s1, $0x11  }
0xbc: {  	s0 =	sor.u32 s1, s0  }
0xbd: {  	s0 =	sadd.s32 $0x8F2B, s0  }
0xbe: {  	[sflag:s0] =	ssyncadd.remote.s32 $0x1  }
0xbf: {  	_ =	sfence.sel $0xFFFF  }
0xc0: {  	[dreg:$0x0] =	wrdreg $0xFFFFFFFF;
	(pc) =	sbr.abs _section_cstart, $3  }
0xc1: {  	[dreg:$0x1] =	wrdreg $0xFFFFFFFF  }
0xc2: {  	_ =	task.clear_ibuf [dreg:s7], $0x2FFFF;
	_ =	strace $0x9FFFFFFF  }
0xc3: {  	(tm) =	ssettm $0x7FFFFFFF  }
tec
execute0_lowered:
.L_overlay_start_1:
0x0: {  	(tag) =	ssettag $0x1  }
0x1: {  	s5 =	rddreg [dreg:$0x0]  }
0x2: {  	s1 =	srdreg.scid;
	s2 =	rddreg [dreg:$0x1]  }
0x3: {  	s0 =	stileid.u32;
	s3 =	rddreg [dreg:$0x2];
	s4 =	simm.s32 $0x0  }
0x4: {  	s12 =	simm.s32 $0xC800;
	s13 =	simm.s32 $0xA000;
	s14 =	simm.s32 $0x80  }
0x5: {  	s15 =	simm.s32 $0x1;
	s16 =	simm.s32 $0x0;
	s6 =	sand.u32 $0x1, s1  }
0x6: {  	s31 =	sshll.u32 s0, $0x1;
	s8 =	smul.u32 $0x5000, s0;
	[smem:$0x7FF] =	sst s4  }
0x7: {  	s1 =	sor.u32 s6, s31;
	s9 =	smul.u32 $0x50000, s6;
	s6 =	ssub.s32 $0x2, s6  }
0x8: {  	s7 =	smul.u32 $0x500, s1;
	s1 =	rddreg [dreg:$0x3];
	_ =	strace $0x80000047  }
0x9: {  	s10 =	sshrl.u32 s8, $0x3;
	s11 =	sshrl.u32 s6, $0x1;
	s9 =	sadd.s32 s8, s9  }
0xa: {  	s10 =	sadd.s32 s10, s5;
	s11 =	ssub.s32 s6, s11;
	s9 =	sshrl.u32 s9, $0x3  }
0xb: {  	s6 =	sadd.s32 s8, s3;
	s7 =	sadd.s32 s7, s5;
	s9 =	sadd.s32 s9, s5  }
0xc: {  	s5 =	sadd.s32 $0xCA00, s10;
	s7 =	sadd.s32 $0x2A00, s7;
	s10 =	simm.s32 $0x5000  }
0xd: {  	s8 =	sadd.s32 $0x16A00, s9;
	s9 =	smax.u32 s11, $0x1;
	s11 =	simm.s32 $0x2  }
.LBB2_1:
0xe: {  	[tilespmem:s10], [sflag:$0x2] =	stream.linear.gather [hbm4b:s5+s4], $0x5000, $0x38;
	[tilespmem:$0xD800] =	vst v63  }
0xf: {  	_ =	swait.ge [sflag:s11], $0x5000  }
0x10: {  	[sflag:s11] =	ssyncset.done $0x0  }
0x11: {  	[sflag:s11] =	ssyncadd.s32 $0xFFFFB000  }
0x12: {  	[spmem:s6] =	stream.linear.scatter [tilespmem:s10], [sflag:$0x2], $0x5000, $0x38;
	[tilespmem:$0xD800] =	vst v63  }
0x13: {  	_ =	swait.ge [sflag:s11], $0x5000  }
0x14: {  	[sflag:s11] =	ssyncset.done $0x0  }
0x15: {  	[sflag:s11] =	ssyncadd.s32 $0xFFFFB000  }
0x16: {  	[tilespmem:s12], [sflag:$0x2] =	stream.linear.gather [hbm4b:s2+s4], $0x1000, $0x38;
	[tilespmem:$0xD800] =	vst v63  }
0x17: {  	_ =	swait.ge [sflag:s11], $0x1000  }
0x18: {  	[sflag:s11] =	ssyncset.done $0x0  }
0x19: {  	[sflag:s11] =	ssyncadd.s32 $0xFFFFF000  }
0x1a: {  	[tilespmem:s13], [sflag:$0x2] =	stream.linear.gather [hbm4b:s7+s4], $0x2800, $0x38;
	[tilespmem:$0xD800] =	vst v63  }
0x1b: {  	_ =	swait.ge [sflag:s11], $0x2800  }
0x1c: {  	[sflag:s11] =	ssyncset.done $0x0  }
0x1d: {  	[sflag:s11] =	ssyncadd.s32 $0xFFFFD800  }
0x1e: {  	s17 =	simm.s32 $0x0;
	[bflag:$0x0] =	sbarrier.arrive $0xFFFF  }
.LBB2_2:
0x1f: {  	p0 =	sne.s32 s17, $0x9E00  }
.Ltmp0:
0x20: {  	_ = 	snop;
	(pc) =	sbr.rel @p0 .LBB2_2-.Ltmp0, $4  }
0x21: {  	_ = 	snop  }
0x22: {  	s18 =	sshra.s32 s17, $0x2  }
0x23: {  	s17 =	sadd.s32 $0x200, s17;
	s18 =	sadd.s32 $0xA000, s18  }
0x24: {  	[spmem:s3] =	stream.indirect.scatter.add.f32 [tilespmem:s12], [sflag:$0x1], $0x20, s18, s14, $0xb8;
	[tilespmem:$0xD800] =	vst v63  }
0x25: {  	_ =	swait.ge [sflag:s15], $0x1000  }
0x26: {  	s17 =	simm.s32 $0x4F;
	[sflag:s15] =	ssyncset.done $0x0  }
.LBB2_4:
0x27: {  	p0 =	sne.s32 s17, $0x1;
	s17 =	sadd.s32 $0xFFFFFFFF, s17;
	[sflag:s15] =	ssyncadd.s32 $0xFFFFF000  }
.Ltmp1:
0x28: {  	(pc) =	sbr.rel @p0 .LBB2_4-.Ltmp1, $3  }
0x29: {  	_ =	sdelay $0x1  }
0x2a: {  	_ =	swait.ge [sflag:s15], $0x1000  }
0x2b: {  	[sflag:s15] =	ssyncset.done $0x0  }
0x2c: {  	[sflag:s15] =	ssyncadd.s32 $0xFFFFF000  }
0x2d: {  	[bflag:$0x0] =	sbarrier.arrive $0xFFFF  }
0x2e: {  	[tilespmem:s10], [sflag:$0x2] =	stream.linear.gather [spmem:s6], $0x5000, $0x38;
	[tilespmem:$0xD800] =	vst v63  }
0x2f: {  	s16 =	sadd.s32 $0x1, s16;
	_ =	swait.ge [sflag:s11], $0x5000  }
0x30: {  	p0 =	sne.s32 s16, s9;
	[sflag:s11] =	ssyncset.done $0x0  }
.Ltmp2:
0x31: {  	[sflag:s11] =	ssyncadd.s32 $0xFFFFB000;
	(pc) =	sbr.rel @p0 .LBB2_1-.Ltmp2, $4  }
0x32: {  	[hbm4b:s8+s4] =	stream.linear.scatter [tilespmem:s10], [sflag:$0x2], $0x5000, $0x38;
	[tilespmem:$0xD800] =	vst v63  }
0x33: {  	_ =	swait.ge [sflag:s11], $0x5000  }
0x34: {  	[sflag:s11] =	ssyncset.done $0x0  }
0x35: {  	[sflag:s11] =	ssyncadd.s32 $0xFFFFB000  }
0x36: {  	_ =	sfence.sel $0x180000  }
0x37: {  	[bflag:$0x0] =	sbarrier.arrive $0xFFFF  }
0x38: {  	p0 =	sne.s32 s0, $0x0;
	_ =	strace $0x90000047  }
0x39: {  	s0 =	sadd.s32 @!p0 $0x100000, s1;
	[bflag:$0x2] =	sbarrier.arrive $0xFFFF  }
0x3a: {  	[sflag:s0] =	ssyncadd.tile.s32 @!p0 $0x1;
	_ =	shalt  }
.Lfunc_end2:
_tile_overlayer_lowered:
.L_overlay_start_2:
0x3b: {  	(tag) =	ssettag $0x2  }
0x3c: {  	s0 =	rddreg [dreg:$0x0];
	s2 =	stileid.u32  }
0x3d: {  	s1 =	rddreg [dreg:$0x1];
	p0 =	sne.s32 s2, $0x0  }
0x3e: {  	s3 =	rddreg [dreg:$0x2];
	[bflag:$0x3] =	sbarrier.arrive $0xFFFF;
	s2 =	simm.s32 @!p0 $0x1C02  }
0x3f: {  	[timem:s3], [sflag:s2] =	dma.local @!p0 [hbm:s0], s1  }
0x40: {  	s0 =	simm.s32 @!p0 $0x2  }
0x41: {  	_ =	swait.ge @!p0 [sflag:s0], s1  }
0x42: {  	s1 =	ssub.s32 @!p0 $0x0, s1;
	[sflag:s0] =	ssyncset.done @!p0 $0x0  }
0x43: {  	[sflag:s0] =	ssyncadd.s32 @!p0 s1  }
0x44: {  	[bflag:$0x3] =	sbarrier.arrive $0xFFFF  }
0x45: {  	_ =	shalt  }

</sc_bundles>
